<compile_context>
chip_gen: v7x
topology: tpu7x:2x2x1
jax: 0.10.2.dev20260603
libtpu: 0.0.44.dev20260713+nightly
codegen_flags: <defaults>
</compile_context>

<pallas_src>
import functools

import jax
import jax.numpy as jnp
from jax import lax
from jax.experimental import pallas as pl
from jax.experimental.pallas import tpu as pltpu
from jax.experimental.pallas import tpu_sc as plsc

D = 32
NC = 2
NS = 16
NW = NC * NS
C = 640
G = 128
NB = 4


@functools.partial(jax.jit, static_argnames=("n_rows",))
def _gather_rows(idx, table, n_rows):
    b_per_w = n_rows // NW
    n_chunks = b_per_w // C
    n_groups = n_chunks // NB
    mesh = plsc.VectorSubcoreMesh(core_axis_name="c", subcore_axis_name="s")

    @functools.partial(
        pl.kernel,
        mesh=mesh,
        out_type=jax.ShapeDtypeStruct((n_rows, D), jnp.float32),
        scratch_types=[
            pltpu.VMEM((NB, C), jnp.int32),
            pltpu.VMEM((NB, C, D), jnp.float32),
            [pltpu.SemaphoreType.DMA] * NB,
            [pltpu.SemaphoreType.DMA] * NB,
        ],
        compiler_params=pltpu.CompilerParams(use_tc_tiling_on_sc=False),
    )
    def emb(idx_hbm, table_hbm, out_hbm, idx_v, rows_v, gsems, ssems):
        wid = lax.axis_index("s") * NC + lax.axis_index("c")
        base = wid * b_per_w

        def fire(chunk, b):
            off = base + chunk * C
            pltpu.sync_copy(idx_hbm.at[pl.ds(off, C)], idx_v.at[b])
            for j in range(C // G):
                pltpu.async_copy(
                    table_hbm.at[idx_v.at[b, pl.ds(j * G, G)]],
                    rows_v.at[b, pl.ds(j * G, G)],
                    gsems[b],
                )

        for b in range(NB):
            fire(b, b)

        def body(g, carry):
            for b in range(NB):
                chunk = g * NB + b
                off = base + chunk * C
                for j in range(C // G):
                    pltpu.make_async_copy(
                        table_hbm.at[idx_v.at[b, pl.ds(j * G, G)]],
                        rows_v.at[b, pl.ds(j * G, G)],
                        gsems[b],
                    ).wait()
                pltpu.async_copy(rows_v.at[b], out_hbm.at[pl.ds(off, C)], ssems[b])

            @pl.when(g < n_groups - 1)
            def _():
                for b in range(NB):
                    pltpu.make_async_copy(
                        rows_v.at[b], out_hbm.at[pl.ds(base, C)], ssems[b]
                    ).wait()
                    fire((g + 1) * NB + b, b)
            return carry

        lax.fori_loop(0, n_groups, body, 0)

        for b in range(NB):
            pltpu.make_async_copy(
                rows_v.at[b], out_hbm.at[pl.ds(base, C)], ssems[b]
            ).wait()

    return emb(idx, table)


def kernel(x, table):
    b, s = x.shape
    n_rows = b * s
    idx = jnp.maximum(
        jnp.reshape(jnp.transpose(x), (n_rows,)), 0
    ).astype(jnp.int32)
    out = _gather_rows(idx, table, n_rows)
    return jnp.transpose(jnp.reshape(out, (s, b, D)), (1, 0, 2))

# --- scband reference (transcript-rebuilt; emitter-appended) ---
"""Pipeline reference for scband-word-rep-52158082843209 (READ-ONLY COPY).

The authoritative reference and input builder live on the scoring server;
editing this copy changes nothing except your own understanding.
"""

import jax, jax.numpy as jnp
import numpy as np

VOCAB = 1000000
EMBED_DIM = 32
BATCH = 4096
SEQ = 200

def setup_inputs(seed: int = 0) -> dict:
    key = jax.random.key(seed)
    k1, k2 = jax.random.split(key)
    init_width = 0.5 / EMBED_DIM
    table = jax.random.uniform(k1, (VOCAB, EMBED_DIM), dtype=jnp.float32, minval=-init_width, maxval=init_width)
    # padding_idx=0 row is zeroed like nn.Embedding(padding_idx=0)
    table = table.at[0].set(0.0)
    x = jax.random.randint(k2, (BATCH, SEQ), 0, VOCAB, dtype=jnp.int64 if jax.config.jax_enable_x64 else jnp.int32)
    return {"x": x, "table": table}

def reference(x, table):
    # features = [embed(x)]; cat along dim=2 is identity for a single feature
    features = jnp.take(table, x, axis=0)  # [B, S, D]
    out = jnp.concatenate([features], axis=2)
    # embed_drop: dropout is identity in eval mode (deterministic reference)
    return out

if __name__ == "__main__":
    import jax
    _d = setup_inputs()
    print(jax.jit(kernel)(*tuple(_d.values())))

</pallas_src>

<mosaic_0001>
#map = affine_map<(d0, d1) -> (0)>
#map1 = affine_map<(d0, d1) -> (0, 0)>
module attributes {stable_mosaic.version = 14 : i64} {
  func.func @emb(%arg0: i32, %arg1: i32, %arg2: memref<819200xi32, #tpu.memory_space<hbm>>, %arg3: memref<1000000x32xf32, #tpu.memory_space<hbm>>, %arg4: memref<819200x32xf32, #tpu.memory_space<hbm>>, %arg5: memref<4x640xi32, #tpu.memory_space<vmem>>, %arg6: memref<4x640x32xf32, #tpu.memory_space<vmem>>, %arg7: memref<!tpu.dma_semaphore, #tpu.memory_space<semaphore_mem>>, %arg8: memref<!tpu.dma_semaphore, #tpu.memory_space<semaphore_mem>>, %arg9: memref<!tpu.dma_semaphore, #tpu.memory_space<semaphore_mem>>, %arg10: memref<!tpu.dma_semaphore, #tpu.memory_space<semaphore_mem>>, %arg11: memref<!tpu.dma_semaphore, #tpu.memory_space<semaphore_mem>>, %arg12: memref<!tpu.dma_semaphore, #tpu.memory_space<semaphore_mem>>, %arg13: memref<!tpu.dma_semaphore, #tpu.memory_space<semaphore_mem>>, %arg14: memref<!tpu.dma_semaphore, #tpu.memory_space<semaphore_mem>>) attributes {dimension_semantics = [#tpu.dimension_semantics<core_parallel>, #tpu.dimension_semantics<subcore_parallel>], iteration_bounds = array<i64: 2, 16>, scalar_prefetch = 0 : i64, scratch_operands = 10 : i64, tpu.core_type = #tpu.core_type<sc_vector_subcore>, window_params = [{transform_indices = #map}, {transform_indices = #map1}, {transform_indices = #map1}]} {
    %mul3A = arith.constant 2 : i32
    %mul3A_0 = arith.muli %arg1, %mul3A : i32
    %add3A = arith.addi %mul3A_0, %arg0 : i32
    %mul3A_1 = arith.constant 25600 : i32
    %mul3A_2 = arith.muli %add3A, %mul3A_1 : i32
    %add3A_3 = arith.constant 0 : i32
    %add3A_4 = arith.addi %mul3A_2, %add3A_3 : i32
    %run_scoped3A = arith.constant 0 : i32
    "tpu.region"() ({
      %run_scoped3A_309 = tpu.sem_alloc : memref<!tpu.dma_semaphore, #tpu.memory_space<semaphore_mem>>
      %dma_start3A_310 = arith.constant 0 : i32
      %dma_start3A_311 = tpu.memref_slice %arg5[%run_scoped3A, %dma_start3A_310] : memref<4x640xi32, #tpu.memory_space<vmem>> -> memref<1x640xi32, #tpu.memory_space<vmem>>
      %dma_start3A_312 = tpu.memref_squeeze %dma_start3A_311 : memref<1x640xi32, #tpu.memory_space<vmem>> -> memref<640xi32, #tpu.memory_space<vmem>>
      %dma_start3A_313 = tpu.memref_slice %arg2[%add3A_4] : memref<819200xi32, #tpu.memory_space<hbm>> -> memref<640xi32, #tpu.memory_space<hbm>>
      %dma_start3A_314 = arith.constant 0 : i32
      %dma_start3A_315 = tpu.memref_slice %arg5[%run_scoped3A, %dma_start3A_314] : memref<4x640xi32, #tpu.memory_space<vmem>> -> memref<1x640xi32, #tpu.memory_space<vmem>>
      %dma_start3A_316 = tpu.memref_squeeze %dma_start3A_315 : memref<1x640xi32, #tpu.memory_space<vmem>> -> memref<640xi32, #tpu.memory_space<vmem>>
      %dma_start3A_317 = tpu.memref_slice %arg2[%add3A_4] : memref<819200xi32, #tpu.memory_space<hbm>> -> memref<640xi32, #tpu.memory_space<hbm>>
      tpu.enqueue_dma source(%dma_start3A_317 : memref<640xi32, #tpu.memory_space<hbm>>) target(%dma_start3A_316 : memref<640xi32, #tpu.memory_space<vmem>>) target_semaphore(%run_scoped3A_309 : memref<!tpu.dma_semaphore, #tpu.memory_space<semaphore_mem>>)
      %dma_wait3A_318 = arith.constant 0 : i32
      %dma_wait3A_319 = tpu.memref_slice %arg5[%run_scoped3A, %dma_wait3A_318] : memref<4x640xi32, #tpu.memory_space<vmem>> -> memref<1x640xi32, #tpu.memory_space<vmem>>
      %dma_wait3A_320 = tpu.memref_squeeze %dma_wait3A_319 : memref<1x640xi32, #tpu.memory_space<vmem>> -> memref<640xi32, #tpu.memory_space<vmem>>
      %dma_wait3A_321 = tpu.memref_slice %arg2[%add3A_4] : memref<819200xi32, #tpu.memory_space<hbm>> -> memref<640xi32, #tpu.memory_space<hbm>>
      %dma_wait3A_322 = arith.constant 0 : i32
      %dma_wait3A_323 = tpu.memref_slice %arg5[%run_scoped3A, %dma_wait3A_322] : memref<4x640xi32, #tpu.memory_space<vmem>> -> memref<1x640xi32, #tpu.memory_space<vmem>>
      %dma_wait3A_324 = tpu.memref_squeeze %dma_wait3A_323 : memref<1x640xi32, #tpu.memory_space<vmem>> -> memref<640xi32, #tpu.memory_space<vmem>>
      %dma_wait3A_325 = tpu.memref_slice %arg2[%add3A_4] : memref<819200xi32, #tpu.memory_space<hbm>> -> memref<640xi32, #tpu.memory_space<hbm>>
      tpu.wait_dma2 semaphore(%run_scoped3A_309 : memref<!tpu.dma_semaphore, #tpu.memory_space<semaphore_mem>>) src(%dma_wait3A_325 : memref<640xi32, #tpu.memory_space<hbm>>) dst(%dma_wait3A_324 : memref<640xi32, #tpu.memory_space<vmem>>)
      tpu.yield
    }) : () -> ()
    %dma_start3A = arith.constant 0 : i32
    %dma_start3A_5 = arith.constant 0 : i32
    %dma_start3A_6 = arith.constant 0 : i32
    %dma_start3A_7 = arith.constant 0 : i32
    %dma_start3A_8 = tpu.memref_slice %arg6[%dma_start3A_5, %dma_start3A_6, %dma_start3A_7] : memref<4x640x32xf32, #tpu.memory_space<vmem>> -> memref<1x128x32xf32, #tpu.memory_space<vmem>>
    %dma_start3A_9 = tpu.memref_squeeze %dma_start3A_8 : memref<1x128x32xf32, #tpu.memory_space<vmem>> -> memref<128x32xf32, #tpu.memory_space<vmem>>
    %dma_start3A_10 = arith.constant 0 : i32
    %dma_start3A_11 = tpu.memref_slice %arg5[%dma_start3A, %dma_start3A_10] : memref<4x640xi32, #tpu.memory_space<vmem>> -> memref<1x128xi32, #tpu.memory_space<vmem>>
    %dma_start3A_12 = tpu.memref_squeeze %dma_start3A_11 : memref<1x128xi32, #tpu.memory_space<vmem>> -> memref<128xi32, #tpu.memory_space<vmem>>
    %dma_start3A_13 = arith.constant 0 : i32
    %dma_start3A_14 = arith.constant 0 : i32
    %dma_start3A_15 = tpu.memref_slice %arg3[%dma_start3A_13, %dma_start3A_14] : memref<1000000x32xf32, #tpu.memory_space<hbm>> -> memref<1000000x32xf32, #tpu.memory_space<hbm>>
    tpu.enqueue_indirect_dma source(%dma_start3A_15 : memref<1000000x32xf32, #tpu.memory_space<hbm>>) target(%dma_start3A_9 : memref<128x32xf32, #tpu.memory_space<vmem>>) offsets(%dma_start3A_12 : memref<128xi32, #tpu.memory_space<vmem>>) semaphore(%arg7 : memref<!tpu.dma_semaphore, #tpu.memory_space<semaphore_mem>>)
    %dma_start3A_16 = arith.constant 0 : i32
    %dma_start3A_17 = arith.constant 0 : i32
    %dma_start3A_18 = arith.constant 128 : i32
    %dma_start3A_19 = arith.constant 0 : i32
    %dma_start3A_20 = tpu.memref_slice %arg6[%dma_start3A_17, %dma_start3A_18, %dma_start3A_19] : memref<4x640x32xf32, #tpu.memory_space<vmem>> -> memref<1x128x32xf32, #tpu.memory_space<vmem>>
    %dma_start3A_21 = tpu.memref_squeeze %dma_start3A_20 : memref<1x128x32xf32, #tpu.memory_space<vmem>> -> memref<128x32xf32, #tpu.memory_space<vmem>>
    %dma_start3A_22 = arith.constant 128 : i32
    %dma_start3A_23 = tpu.memref_slice %arg5[%dma_start3A_16, %dma_start3A_22] : memref<4x640xi32, #tpu.memory_space<vmem>> -> memref<1x128xi32, #tpu.memory_space<vmem>>
    %dma_start3A_24 = tpu.memref_squeeze %dma_start3A_23 : memref<1x128xi32, #tpu.memory_space<vmem>> -> memref<128xi32, #tpu.memory_space<vmem>>
    %dma_start3A_25 = arith.constant 0 : i32
    %dma_start3A_26 = arith.constant 0 : i32
    %dma_start3A_27 = tpu.memref_slice %arg3[%dma_start3A_25, %dma_start3A_26] : memref<1000000x32xf32, #tpu.memory_space<hbm>> -> memref<1000000x32xf32, #tpu.memory_space<hbm>>
    tpu.enqueue_indirect_dma source(%dma_start3A_27 : memref<1000000x32xf32, #tpu.memory_space<hbm>>) target(%dma_start3A_21 : memref<128x32xf32, #tpu.memory_space<vmem>>) offsets(%dma_start3A_24 : memref<128xi32, #tpu.memory_space<vmem>>) semaphore(%arg7 : memref<!tpu.dma_semaphore, #tpu.memory_space<semaphore_mem>>)
    %dma_start3A_28 = arith.constant 0 : i32
    %dma_start3A_29 = arith.constant 0 : i32
    %dma_start3A_30 = arith.constant 256 : i32
    %dma_start3A_31 = arith.constant 0 : i32
    %dma_start3A_32 = tpu.memref_slice %arg6[%dma_start3A_29, %dma_start3A_30, %dma_start3A_31] : memref<4x640x32xf32, #tpu.memory_space<vmem>> -> memref<1x128x32xf32, #tpu.memory_space<vmem>>
    %dma_start3A_33 = tpu.memref_squeeze %dma_start3A_32 : memref<1x128x32xf32, #tpu.memory_space<vmem>> -> memref<128x32xf32, #tpu.memory_space<vmem>>
    %dma_start3A_34 = arith.constant 256 : i32
    %dma_start3A_35 = tpu.memref_slice %arg5[%dma_start3A_28, %dma_start3A_34] : memref<4x640xi32, #tpu.memory_space<vmem>> -> memref<1x128xi32, #tpu.memory_space<vmem>>
    %dma_start3A_36 = tpu.memref_squeeze %dma_start3A_35 : memref<1x128xi32, #tpu.memory_space<vmem>> -> memref<128xi32, #tpu.memory_space<vmem>>
    %dma_start3A_37 = arith.constant 0 : i32
    %dma_start3A_38 = arith.constant 0 : i32
    %dma_start3A_39 = tpu.memref_slice %arg3[%dma_start3A_37, %dma_start3A_38] : memref<1000000x32xf32, #tpu.memory_space<hbm>> -> memref<1000000x32xf32, #tpu.memory_space<hbm>>
    tpu.enqueue_indirect_dma source(%dma_start3A_39 : memref<1000000x32xf32, #tpu.memory_space<hbm>>) target(%dma_start3A_33 : memref<128x32xf32, #tpu.memory_space<vmem>>) offsets(%dma_start3A_36 : memref<128xi32, #tpu.memory_space<vmem>>) semaphore(%arg7 : memref<!tpu.dma_semaphore, #tpu.memory_space<semaphore_mem>>)
    %dma_start3A_40 = arith.constant 0 : i32
    %dma_start3A_41 = arith.constant 0 : i32
    %dma_start3A_42 = arith.constant 384 : i32
    %dma_start3A_43 = arith.constant 0 : i32
    %dma_start3A_44 = tpu.memref_slice %arg6[%dma_start3A_41, %dma_start3A_42, %dma_start3A_43] : memref<4x640x32xf32, #tpu.memory_space<vmem>> -> memref<1x128x32xf32, #tpu.memory_space<vmem>>
    %dma_start3A_45 = tpu.memref_squeeze %dma_start3A_44 : memref<1x128x32xf32, #tpu.memory_space<vmem>> -> memref<128x32xf32, #tpu.memory_space<vmem>>
    %dma_start3A_46 = arith.constant 384 : i32
    %dma_start3A_47 = tpu.memref_slice %arg5[%dma_start3A_40, %dma_start3A_46] : memref<4x640xi32, #tpu.memory_space<vmem>> -> memref<1x128xi32, #tpu.memory_space<vmem>>
    %dma_start3A_48 = tpu.memref_squeeze %dma_start3A_47 : memref<1x128xi32, #tpu.memory_space<vmem>> -> memref<128xi32, #tpu.memory_space<vmem>>
    %dma_start3A_49 = arith.constant 0 : i32
    %dma_start3A_50 = arith.constant 0 : i32
    %dma_start3A_51 = tpu.memref_slice %arg3[%dma_start3A_49, %dma_start3A_50] : memref<1000000x32xf32, #tpu.memory_space<hbm>> -> memref<1000000x32xf32, #tpu.memory_space<hbm>>
    tpu.enqueue_indirect_dma source(%dma_start3A_51 : memref<1000000x32xf32, #tpu.memory_space<hbm>>) target(%dma_start3A_45 : memref<128x32xf32, #tpu.memory_space<vmem>>) offsets(%dma_start3A_48 : memref<128xi32, #tpu.memory_space<vmem>>) semaphore(%arg7 : memref<!tpu.dma_semaphore, #tpu.memory_space<semaphore_mem>>)
    %dma_start3A_52 = arith.constant 0 : i32
    %dma_start3A_53 = arith.constant 0 : i32
    %dma_start3A_54 = arith.constant 512 : i32
    %dma_start3A_55 = arith.constant 0 : i32
    %dma_start3A_56 = tpu.memref_slice %arg6[%dma_start3A_53, %dma_start3A_54, %dma_start3A_55] : memref<4x640x32xf32, #tpu.memory_space<vmem>> -> memref<1x128x32xf32, #tpu.memory_space<vmem>>
    %dma_start3A_57 = tpu.memref_squeeze %dma_start3A_56 : memref<1x128x32xf32, #tpu.memory_space<vmem>> -> memref<128x32xf32, #tpu.memory_space<vmem>>
    %dma_start3A_58 = arith.constant 512 : i32
    %dma_start3A_59 = tpu.memref_slice %arg5[%dma_start3A_52, %dma_start3A_58] : memref<4x640xi32, #tpu.memory_space<vmem>> -> memref<1x128xi32, #tpu.memory_space<vmem>>
    %dma_start3A_60 = tpu.memref_squeeze %dma_start3A_59 : memref<1x128xi32, #tpu.memory_space<vmem>> -> memref<128xi32, #tpu.memory_space<vmem>>
    %dma_start3A_61 = arith.constant 0 : i32
    %dma_start3A_62 = arith.constant 0 : i32
    %dma_start3A_63 = tpu.memref_slice %arg3[%dma_start3A_61, %dma_start3A_62] : memref<1000000x32xf32, #tpu.memory_space<hbm>> -> memref<1000000x32xf32, #tpu.memory_space<hbm>>
    tpu.enqueue_indirect_dma source(%dma_start3A_63 : memref<1000000x32xf32, #tpu.memory_space<hbm>>) target(%dma_start3A_57 : memref<128x32xf32, #tpu.memory_space<vmem>>) offsets(%dma_start3A_60 : memref<128xi32, #tpu.memory_space<vmem>>) semaphore(%arg7 : memref<!tpu.dma_semaphore, #tpu.memory_space<semaphore_mem>>)
    %add3A_64 = arith.constant 640 : i32
    %add3A_65 = arith.addi %mul3A_2, %add3A_64 : i32
    %run_scoped3A_66 = arith.constant 1 : i32
    "tpu.region"() ({
      %run_scoped3A_309 = tpu.sem_alloc : memref<!tpu.dma_semaphore, #tpu.memory_space<semaphore_mem>>
      %dma_start3A_310 = arith.constant 0 : i32
      %dma_start3A_311 = tpu.memref_slice %arg5[%run_scoped3A_66, %dma_start3A_310] : memref<4x640xi32, #tpu.memory_space<vmem>> -> memref<1x640xi32, #tpu.memory_space<vmem>>
      %dma_start3A_312 = tpu.memref_squeeze %dma_start3A_311 : memref<1x640xi32, #tpu.memory_space<vmem>> -> memref<640xi32, #tpu.memory_space<vmem>>
      %dma_start3A_313 = tpu.memref_slice %arg2[%add3A_65] : memref<819200xi32, #tpu.memory_space<hbm>> -> memref<640xi32, #tpu.memory_space<hbm>>
      %dma_start3A_314 = arith.constant 0 : i32
      %dma_start3A_315 = tpu.memref_slice %arg5[%run_scoped3A_66, %dma_start3A_314] : memref<4x640xi32, #tpu.memory_space<vmem>> -> memref<1x640xi32, #tpu.memory_space<vmem>>
      %dma_start3A_316 = tpu.memref_squeeze %dma_start3A_315 : memref<1x640xi32, #tpu.memory_space<vmem>> -> memref<640xi32, #tpu.memory_space<vmem>>
      %dma_start3A_317 = tpu.memref_slice %arg2[%add3A_65] : memref<819200xi32, #tpu.memory_space<hbm>> -> memref<640xi32, #tpu.memory_space<hbm>>
      tpu.enqueue_dma source(%dma_start3A_317 : memref<640xi32, #tpu.memory_space<hbm>>) target(%dma_start3A_316 : memref<640xi32, #tpu.memory_space<vmem>>) target_semaphore(%run_scoped3A_309 : memref<!tpu.dma_semaphore, #tpu.memory_space<semaphore_mem>>)
      %dma_wait3A_318 = arith.constant 0 : i32
      %dma_wait3A_319 = tpu.memref_slice %arg5[%run_scoped3A_66, %dma_wait3A_318] : memref<4x640xi32, #tpu.memory_space<vmem>> -> memref<1x640xi32, #tpu.memory_space<vmem>>
      %dma_wait3A_320 = tpu.memref_squeeze %dma_wait3A_319 : memref<1x640xi32, #tpu.memory_space<vmem>> -> memref<640xi32, #tpu.memory_space<vmem>>
      %dma_wait3A_321 = tpu.memref_slice %arg2[%add3A_65] : memref<819200xi32, #tpu.memory_space<hbm>> -> memref<640xi32, #tpu.memory_space<hbm>>
      %dma_wait3A_322 = arith.constant 0 : i32
      %dma_wait3A_323 = tpu.memref_slice %arg5[%run_scoped3A_66, %dma_wait3A_322] : memref<4x640xi32, #tpu.memory_space<vmem>> -> memref<1x640xi32, #tpu.memory_space<vmem>>
      %dma_wait3A_324 = tpu.memref_squeeze %dma_wait3A_323 : memref<1x640xi32, #tpu.memory_space<vmem>> -> memref<640xi32, #tpu.memory_space<vmem>>
      %dma_wait3A_325 = tpu.memref_slice %arg2[%add3A_65] : memref<819200xi32, #tpu.memory_space<hbm>> -> memref<640xi32, #tpu.memory_space<hbm>>
      tpu.wait_dma2 semaphore(%run_scoped3A_309 : memref<!tpu.dma_semaphore, #tpu.memory_space<semaphore_mem>>) src(%dma_wait3A_325 : memref<640xi32, #tpu.memory_space<hbm>>) dst(%dma_wait3A_324 : memref<640xi32, #tpu.memory_space<vmem>>)
      tpu.yield
    }) : () -> ()
    %dma_start3A_67 = arith.constant 1 : i32
    %dma_start3A_68 = arith.constant 1 : i32
    %dma_start3A_69 = arith.constant 0 : i32
    %dma_start3A_70 = arith.constant 0 : i32
    %dma_start3A_71 = tpu.memref_slice %arg6[%dma_start3A_68, %dma_start3A_69, %dma_start3A_70] : memref<4x640x32xf32, #tpu.memory_space<vmem>> -> memref<1x128x32xf32, #tpu.memory_space<vmem>>
    %dma_start3A_72 = tpu.memref_squeeze %dma_start3A_71 : memref<1x128x32xf32, #tpu.memory_space<vmem>> -> memref<128x32xf32, #tpu.memory_space<vmem>>
    %dma_start3A_73 = arith.constant 0 : i32
    %dma_start3A_74 = tpu.memref_slice %arg5[%dma_start3A_67, %dma_start3A_73] : memref<4x640xi32, #tpu.memory_space<vmem>> -> memref<1x128xi32, #tpu.memory_space<vmem>>
    %dma_start3A_75 = tpu.memref_squeeze %dma_start3A_74 : memref<1x128xi32, #tpu.memory_space<vmem>> -> memref<128xi32, #tpu.memory_space<vmem>>
    %dma_start3A_76 = arith.constant 0 : i32
    %dma_start3A_77 = arith.constant 0 : i32
    %dma_start3A_78 = tpu.memref_slice %arg3[%dma_start3A_76, %dma_start3A_77] : memref<1000000x32xf32, #tpu.memory_space<hbm>> -> memref<1000000x32xf32, #tpu.memory_space<hbm>>
    tpu.enqueue_indirect_dma source(%dma_start3A_78 : memref<1000000x32xf32, #tpu.memory_space<hbm>>) target(%dma_start3A_72 : memref<128x32xf32, #tpu.memory_space<vmem>>) offsets(%dma_start3A_75 : memref<128xi32, #tpu.memory_space<vmem>>) semaphore(%arg8 : memref<!tpu.dma_semaphore, #tpu.memory_space<semaphore_mem>>)
    %dma_start3A_79 = arith.constant 1 : i32
    %dma_start3A_80 = arith.constant 1 : i32
    %dma_start3A_81 = arith.constant 128 : i32
    %dma_start3A_82 = arith.constant 0 : i32
    %dma_start3A_83 = tpu.memref_slice %arg6[%dma_start3A_80, %dma_start3A_81, %dma_start3A_82] : memref<4x640x32xf32, #tpu.memory_space<vmem>> -> memref<1x128x32xf32, #tpu.memory_space<vmem>>
    %dma_start3A_84 = tpu.memref_squeeze %dma_start3A_83 : memref<1x128x32xf32, #tpu.memory_space<vmem>> -> memref<128x32xf32, #tpu.memory_space<vmem>>
    %dma_start3A_85 = arith.constant 128 : i32
    %dma_start3A_86 = tpu.memref_slice %arg5[%dma_start3A_79, %dma_start3A_85] : memref<4x640xi32, #tpu.memory_space<vmem>> -> memref<1x128xi32, #tpu.memory_space<vmem>>
    %dma_start3A_87 = tpu.memref_squeeze %dma_start3A_86 : memref<1x128xi32, #tpu.memory_space<vmem>> -> memref<128xi32, #tpu.memory_space<vmem>>
    %dma_start3A_88 = arith.constant 0 : i32
    %dma_start3A_89 = arith.constant 0 : i32
    %dma_start3A_90 = tpu.memref_slice %arg3[%dma_start3A_88, %dma_start3A_89] : memref<1000000x32xf32, #tpu.memory_space<hbm>> -> memref<1000000x32xf32, #tpu.memory_space<hbm>>
    tpu.enqueue_indirect_dma source(%dma_start3A_90 : memref<1000000x32xf32, #tpu.memory_space<hbm>>) target(%dma_start3A_84 : memref<128x32xf32, #tpu.memory_space<vmem>>) offsets(%dma_start3A_87 : memref<128xi32, #tpu.memory_space<vmem>>) semaphore(%arg8 : memref<!tpu.dma_semaphore, #tpu.memory_space<semaphore_mem>>)
    %dma_start3A_91 = arith.constant 1 : i32
    %dma_start3A_92 = arith.constant 1 : i32
    %dma_start3A_93 = arith.constant 256 : i32
    %dma_start3A_94 = arith.constant 0 : i32
    %dma_start3A_95 = tpu.memref_slice %arg6[%dma_start3A_92, %dma_start3A_93, %dma_start3A_94] : memref<4x640x32xf32, #tpu.memory_space<vmem>> -> memref<1x128x32xf32, #tpu.memory_space<vmem>>
    %dma_start3A_96 = tpu.memref_squeeze %dma_start3A_95 : memref<1x128x32xf32, #tpu.memory_space<vmem>> -> memref<128x32xf32, #tpu.memory_space<vmem>>
    %dma_start3A_97 = arith.constant 256 : i32
    %dma_start3A_98 = tpu.memref_slice %arg5[%dma_start3A_91, %dma_start3A_97] : memref<4x640xi32, #tpu.memory_space<vmem>> -> memref<1x128xi32, #tpu.memory_space<vmem>>
    %dma_start3A_99 = tpu.memref_squeeze %dma_start3A_98 : memref<1x128xi32, #tpu.memory_space<vmem>> -> memref<128xi32, #tpu.memory_space<vmem>>
    %dma_start3A_100 = arith.constant 0 : i32
    %dma_start3A_101 = arith.constant 0 : i32
    %dma_start3A_102 = tpu.memref_slice %arg3[%dma_start3A_100, %dma_start3A_101] : memref<1000000x32xf32, #tpu.memory_space<hbm>> -> memref<1000000x32xf32, #tpu.memory_space<hbm>>
    tpu.enqueue_indirect_dma source(%dma_start3A_102 : memref<1000000x32xf32, #tpu.memory_space<hbm>>) target(%dma_start3A_96 : memref<128x32xf32, #tpu.memory_space<vmem>>) offsets(%dma_start3A_99 : memref<128xi32, #tpu.memory_space<vmem>>) semaphore(%arg8 : memref<!tpu.dma_semaphore, #tpu.memory_space<semaphore_mem>>)
    %dma_start3A_103 = arith.constant 1 : i32
    %dma_start3A_104 = arith.constant 1 : i32
    %dma_start3A_105 = arith.constant 384 : i32
    %dma_start3A_106 = arith.constant 0 : i32
    %dma_start3A_107 = tpu.memref_slice %arg6[%dma_start3A_104, %dma_start3A_105, %dma_start3A_106] : memref<4x640x32xf32, #tpu.memory_space<vmem>> -> memref<1x128x32xf32, #tpu.memory_space<vmem>>
    %dma_start3A_108 = tpu.memref_squeeze %dma_start3A_107 : memref<1x128x32xf32, #tpu.memory_space<vmem>> -> memref<128x32xf32, #tpu.memory_space<vmem>>
    %dma_start3A_109 = arith.constant 384 : i32
    %dma_start3A_110 = tpu.memref_slice %arg5[%dma_start3A_103, %dma_start3A_109] : memref<4x640xi32, #tpu.memory_space<vmem>> -> memref<1x128xi32, #tpu.memory_space<vmem>>
    %dma_start3A_111 = tpu.memref_squeeze %dma_start3A_110 : memref<1x128xi32, #tpu.memory_space<vmem>> -> memref<128xi32, #tpu.memory_space<vmem>>
    %dma_start3A_112 = arith.constant 0 : i32
    %dma_start3A_113 = arith.constant 0 : i32
    %dma_start3A_114 = tpu.memref_slice %arg3[%dma_start3A_112, %dma_start3A_113] : memref<1000000x32xf32, #tpu.memory_space<hbm>> -> memref<1000000x32xf32, #tpu.memory_space<hbm>>
    tpu.enqueue_indirect_dma source(%dma_start3A_114 : memref<1000000x32xf32, #tpu.memory_space<hbm>>) target(%dma_start3A_108 : memref<128x32xf32, #tpu.memory_space<vmem>>) offsets(%dma_start3A_111 : memref<128xi32, #tpu.memory_space<vmem>>) semaphore(%arg8 : memref<!tpu.dma_semaphore, #tpu.memory_space<semaphore_mem>>)
    %dma_start3A_115 = arith.constant 1 : i32
    %dma_start3A_116 = arith.constant 1 : i32
    %dma_start3A_117 = arith.constant 512 : i32
    %dma_start3A_118 = arith.constant 0 : i32
    %dma_start3A_119 = tpu.memref_slice %arg6[%dma_start3A_116, %dma_start3A_117, %dma_start3A_118] : memref<4x640x32xf32, #tpu.memory_space<vmem>> -> memref<1x128x32xf32, #tpu.memory_space<vmem>>
    %dma_start3A_120 = tpu.memref_squeeze %dma_start3A_119 : memref<1x128x32xf32, #tpu.memory_space<vmem>> -> memref<128x32xf32, #tpu.memory_space<vmem>>
    %dma_start3A_121 = arith.constant 512 : i32
    %dma_start3A_122 = tpu.memref_slice %arg5[%dma_start3A_115, %dma_start3A_121] : memref<4x640xi32, #tpu.memory_space<vmem>> -> memref<1x128xi32, #tpu.memory_space<vmem>>
    %dma_start3A_123 = tpu.memref_squeeze %dma_start3A_122 : memref<1x128xi32, #tpu.memory_space<vmem>> -> memref<128xi32, #tpu.memory_space<vmem>>
    %dma_start3A_124 = arith.constant 0 : i32
    %dma_start3A_125 = arith.constant 0 : i32
    %dma_start3A_126 = tpu.memref_slice %arg3[%dma_start3A_124, %dma_start3A_125] : memref<1000000x32xf32, #tpu.memory_space<hbm>> -> memref<1000000x32xf32, #tpu.memory_space<hbm>>
    tpu.enqueue_indirect_dma source(%dma_start3A_126 : memref<1000000x32xf32, #tpu.memory_space<hbm>>) target(%dma_start3A_120 : memref<128x32xf32, #tpu.memory_space<vmem>>) offsets(%dma_start3A_123 : memref<128xi32, #tpu.memory_space<vmem>>) semaphore(%arg8 : memref<!tpu.dma_semaphore, #tpu.memory_space<semaphore_mem>>)
    %add3A_127 = arith.constant 1280 : i32
    %add3A_128 = arith.addi %mul3A_2, %add3A_127 : i32
    %run_scoped3A_129 = arith.constant 2 : i32
    "tpu.region"() ({
      %run_scoped3A_309 = tpu.sem_alloc : memref<!tpu.dma_semaphore, #tpu.memory_space<semaphore_mem>>
      %dma_start3A_310 = arith.constant 0 : i32
      %dma_start3A_311 = tpu.memref_slice %arg5[%run_scoped3A_129, %dma_start3A_310] : memref<4x640xi32, #tpu.memory_space<vmem>> -> memref<1x640xi32, #tpu.memory_space<vmem>>
      %dma_start3A_312 = tpu.memref_squeeze %dma_start3A_311 : memref<1x640xi32, #tpu.memory_space<vmem>> -> memref<640xi32, #tpu.memory_space<vmem>>
      %dma_start3A_313 = tpu.memref_slice %arg2[%add3A_128] : memref<819200xi32, #tpu.memory_space<hbm>> -> memref<640xi32, #tpu.memory_space<hbm>>
      %dma_start3A_314 = arith.constant 0 : i32
      %dma_start3A_315 = tpu.memref_slice %arg5[%run_scoped3A_129, %dma_start3A_314] : memref<4x640xi32, #tpu.memory_space<vmem>> -> memref<1x640xi32, #tpu.memory_space<vmem>>
      %dma_start3A_316 = tpu.memref_squeeze %dma_start3A_315 : memref<1x640xi32, #tpu.memory_space<vmem>> -> memref<640xi32, #tpu.memory_space<vmem>>
      %dma_start3A_317 = tpu.memref_slice %arg2[%add3A_128] : memref<819200xi32, #tpu.memory_space<hbm>> -> memref<640xi32, #tpu.memory_space<hbm>>
      tpu.enqueue_dma source(%dma_start3A_317 : memref<640xi32, #tpu.memory_space<hbm>>) target(%dma_start3A_316 : memref<640xi32, #tpu.memory_space<vmem>>) target_semaphore(%run_scoped3A_309 : memref<!tpu.dma_semaphore, #tpu.memory_space<semaphore_mem>>)
      %dma_wait3A_318 = arith.constant 0 : i32
      %dma_wait3A_319 = tpu.memref_slice %arg5[%run_scoped3A_129, %dma_wait3A_318] : memref<4x640xi32, #tpu.memory_space<vmem>> -> memref<1x640xi32, #tpu.memory_space<vmem>>
      %dma_wait3A_320 = tpu.memref_squeeze %dma_wait3A_319 : memref<1x640xi32, #tpu.memory_space<vmem>> -> memref<640xi32, #tpu.memory_space<vmem>>
      %dma_wait3A_321 = tpu.memref_slice %arg2[%add3A_128] : memref<819200xi32, #tpu.memory_space<hbm>> -> memref<640xi32, #tpu.memory_space<hbm>>
      %dma_wait3A_322 = arith.constant 0 : i32
      %dma_wait3A_323 = tpu.memref_slice %arg5[%run_scoped3A_129, %dma_wait3A_322] : memref<4x640xi32, #tpu.memory_space<vmem>> -> memref<1x640xi32, #tpu.memory_space<vmem>>
      %dma_wait3A_324 = tpu.memref_squeeze %dma_wait3A_323 : memref<1x640xi32, #tpu.memory_space<vmem>> -> memref<640xi32, #tpu.memory_space<vmem>>
      %dma_wait3A_325 = tpu.memref_slice %arg2[%add3A_128] : memref<819200xi32, #tpu.memory_space<hbm>> -> memref<640xi32, #tpu.memory_space<hbm>>
      tpu.wait_dma2 semaphore(%run_scoped3A_309 : memref<!tpu.dma_semaphore, #tpu.memory_space<semaphore_mem>>) src(%dma_wait3A_325 : memref<640xi32, #tpu.memory_space<hbm>>) dst(%dma_wait3A_324 : memref<640xi32, #tpu.memory_space<vmem>>)
      tpu.yield
    }) : () -> ()
    %dma_start3A_130 = arith.constant 2 : i32
    %dma_start3A_131 = arith.constant 2 : i32
    %dma_start3A_132 = arith.constant 0 : i32
    %dma_start3A_133 = arith.constant 0 : i32
    %dma_start3A_134 = tpu.memref_slice %arg6[%dma_start3A_131, %dma_start3A_132, %dma_start3A_133] : memref<4x640x32xf32, #tpu.memory_space<vmem>> -> memref<1x128x32xf32, #tpu.memory_space<vmem>>
    %dma_start3A_135 = tpu.memref_squeeze %dma_start3A_134 : memref<1x128x32xf32, #tpu.memory_space<vmem>> -> memref<128x32xf32, #tpu.memory_space<vmem>>
    %dma_start3A_136 = arith.constant 0 : i32
    %dma_start3A_137 = tpu.memref_slice %arg5[%dma_start3A_130, %dma_start3A_136] : memref<4x640xi32, #tpu.memory_space<vmem>> -> memref<1x128xi32, #tpu.memory_space<vmem>>
    %dma_start3A_138 = tpu.memref_squeeze %dma_start3A_137 : memref<1x128xi32, #tpu.memory_space<vmem>> -> memref<128xi32, #tpu.memory_space<vmem>>
    %dma_start3A_139 = arith.constant 0 : i32
    %dma_start3A_140 = arith.constant 0 : i32
    %dma_start3A_141 = tpu.memref_slice %arg3[%dma_start3A_139, %dma_start3A_140] : memref<1000000x32xf32, #tpu.memory_space<hbm>> -> memref<1000000x32xf32, #tpu.memory_space<hbm>>
    tpu.enqueue_indirect_dma source(%dma_start3A_141 : memref<1000000x32xf32, #tpu.memory_space<hbm>>) target(%dma_start3A_135 : memref<128x32xf32, #tpu.memory_space<vmem>>) offsets(%dma_start3A_138 : memref<128xi32, #tpu.memory_space<vmem>>) semaphore(%arg9 : memref<!tpu.dma_semaphore, #tpu.memory_space<semaphore_mem>>)
    %dma_start3A_142 = arith.constant 2 : i32
    %dma_start3A_143 = arith.constant 2 : i32
    %dma_start3A_144 = arith.constant 128 : i32
    %dma_start3A_145 = arith.constant 0 : i32
    %dma_start3A_146 = tpu.memref_slice %arg6[%dma_start3A_143, %dma_start3A_144, %dma_start3A_145] : memref<4x640x32xf32, #tpu.memory_space<vmem>> -> memref<1x128x32xf32, #tpu.memory_space<vmem>>
    %dma_start3A_147 = tpu.memref_squeeze %dma_start3A_146 : memref<1x128x32xf32, #tpu.memory_space<vmem>> -> memref<128x32xf32, #tpu.memory_space<vmem>>
    %dma_start3A_148 = arith.constant 128 : i32
    %dma_start3A_149 = tpu.memref_slice %arg5[%dma_start3A_142, %dma_start3A_148] : memref<4x640xi32, #tpu.memory_space<vmem>> -> memref<1x128xi32, #tpu.memory_space<vmem>>
    %dma_start3A_150 = tpu.memref_squeeze %dma_start3A_149 : memref<1x128xi32, #tpu.memory_space<vmem>> -> memref<128xi32, #tpu.memory_space<vmem>>
    %dma_start3A_151 = arith.constant 0 : i32
    %dma_start3A_152 = arith.constant 0 : i32
    %dma_start3A_153 = tpu.memref_slice %arg3[%dma_start3A_151, %dma_start3A_152] : memref<1000000x32xf32, #tpu.memory_space<hbm>> -> memref<1000000x32xf32, #tpu.memory_space<hbm>>
    tpu.enqueue_indirect_dma source(%dma_start3A_153 : memref<1000000x32xf32, #tpu.memory_space<hbm>>) target(%dma_start3A_147 : memref<128x32xf32, #tpu.memory_space<vmem>>) offsets(%dma_start3A_150 : memref<128xi32, #tpu.memory_space<vmem>>) semaphore(%arg9 : memref<!tpu.dma_semaphore, #tpu.memory_space<semaphore_mem>>)
    %dma_start3A_154 = arith.constant 2 : i32
    %dma_start3A_155 = arith.constant 2 : i32
    %dma_start3A_156 = arith.constant 256 : i32
    %dma_start3A_157 = arith.constant 0 : i32
    %dma_start3A_158 = tpu.memref_slice %arg6[%dma_start3A_155, %dma_start3A_156, %dma_start3A_157] : memref<4x640x32xf32, #tpu.memory_space<vmem>> -> memref<1x128x32xf32, #tpu.memory_space<vmem>>
    %dma_start3A_159 = tpu.memref_squeeze %dma_start3A_158 : memref<1x128x32xf32, #tpu.memory_space<vmem>> -> memref<128x32xf32, #tpu.memory_space<vmem>>
    %dma_start3A_160 = arith.constant 256 : i32
    %dma_start3A_161 = tpu.memref_slice %arg5[%dma_start3A_154, %dma_start3A_160] : memref<4x640xi32, #tpu.memory_space<vmem>> -> memref<1x128xi32, #tpu.memory_space<vmem>>
    %dma_start3A_162 = tpu.memref_squeeze %dma_start3A_161 : memref<1x128xi32, #tpu.memory_space<vmem>> -> memref<128xi32, #tpu.memory_space<vmem>>
    %dma_start3A_163 = arith.constant 0 : i32
    %dma_start3A_164 = arith.constant 0 : i32
    %dma_start3A_165 = tpu.memref_slice %arg3[%dma_start3A_163, %dma_start3A_164] : memref<1000000x32xf32, #tpu.memory_space<hbm>> -> memref<1000000x32xf32, #tpu.memory_space<hbm>>
    tpu.enqueue_indirect_dma source(%dma_start3A_165 : memref<1000000x32xf32, #tpu.memory_space<hbm>>) target(%dma_start3A_159 : memref<128x32xf32, #tpu.memory_space<vmem>>) offsets(%dma_start3A_162 : memref<128xi32, #tpu.memory_space<vmem>>) semaphore(%arg9 : memref<!tpu.dma_semaphore, #tpu.memory_space<semaphore_mem>>)
    %dma_start3A_166 = arith.constant 2 : i32
    %dma_start3A_167 = arith.constant 2 : i32
    %dma_start3A_168 = arith.constant 384 : i32
    %dma_start3A_169 = arith.constant 0 : i32
    %dma_start3A_170 = tpu.memref_slice %arg6[%dma_start3A_167, %dma_start3A_168, %dma_start3A_169] : memref<4x640x32xf32, #tpu.memory_space<vmem>> -> memref<1x128x32xf32, #tpu.memory_space<vmem>>
    %dma_start3A_171 = tpu.memref_squeeze %dma_start3A_170 : memref<1x128x32xf32, #tpu.memory_space<vmem>> -> memref<128x32xf32, #tpu.memory_space<vmem>>
    %dma_start3A_172 = arith.constant 384 : i32
    %dma_start3A_173 = tpu.memref_slice %arg5[%dma_start3A_166, %dma_start3A_172] : memref<4x640xi32, #tpu.memory_space<vmem>> -> memref<1x128xi32, #tpu.memory_space<vmem>>
    %dma_start3A_174 = tpu.memref_squeeze %dma_start3A_173 : memref<1x128xi32, #tpu.memory_space<vmem>> -> memref<128xi32, #tpu.memory_space<vmem>>
    %dma_start3A_175 = arith.constant 0 : i32
    %dma_start3A_176 = arith.constant 0 : i32
    %dma_start3A_177 = tpu.memref_slice %arg3[%dma_start3A_175, %dma_start3A_176] : memref<1000000x32xf32, #tpu.memory_space<hbm>> -> memref<1000000x32xf32, #tpu.memory_space<hbm>>
    tpu.enqueue_indirect_dma source(%dma_start3A_177 : memref<1000000x32xf32, #tpu.memory_space<hbm>>) target(%dma_start3A_171 : memref<128x32xf32, #tpu.memory_space<vmem>>) offsets(%dma_start3A_174 : memref<128xi32, #tpu.memory_space<vmem>>) semaphore(%arg9 : memref<!tpu.dma_semaphore, #tpu.memory_space<semaphore_mem>>)
    %dma_start3A_178 = arith.constant 2 : i32
    %dma_start3A_179 = arith.constant 2 : i32
    %dma_start3A_180 = arith.constant 512 : i32
    %dma_start3A_181 = arith.constant 0 : i32
    %dma_start3A_182 = tpu.memref_slice %arg6[%dma_start3A_179, %dma_start3A_180, %dma_start3A_181] : memref<4x640x32xf32, #tpu.memory_space<vmem>> -> memref<1x128x32xf32, #tpu.memory_space<vmem>>
    %dma_start3A_183 = tpu.memref_squeeze %dma_start3A_182 : memref<1x128x32xf32, #tpu.memory_space<vmem>> -> memref<128x32xf32, #tpu.memory_space<vmem>>
    %dma_start3A_184 = arith.constant 512 : i32
    %dma_start3A_185 = tpu.memref_slice %arg5[%dma_start3A_178, %dma_start3A_184] : memref<4x640xi32, #tpu.memory_space<vmem>> -> memref<1x128xi32, #tpu.memory_space<vmem>>
    %dma_start3A_186 = tpu.memref_squeeze %dma_start3A_185 : memref<1x128xi32, #tpu.memory_space<vmem>> -> memref<128xi32, #tpu.memory_space<vmem>>
    %dma_start3A_187 = arith.constant 0 : i32
    %dma_start3A_188 = arith.constant 0 : i32
    %dma_start3A_189 = tpu.memref_slice %arg3[%dma_start3A_187, %dma_start3A_188] : memref<1000000x32xf32, #tpu.memory_space<hbm>> -> memref<1000000x32xf32, #tpu.memory_space<hbm>>
    tpu.enqueue_indirect_dma source(%dma_start3A_189 : memref<1000000x32xf32, #tpu.memory_space<hbm>>) target(%dma_start3A_183 : memref<128x32xf32, #tpu.memory_space<vmem>>) offsets(%dma_start3A_186 : memref<128xi32, #tpu.memory_space<vmem>>) semaphore(%arg9 : memref<!tpu.dma_semaphore, #tpu.memory_space<semaphore_mem>>)
    %add3A_190 = arith.constant 1920 : i32
    %add3A_191 = arith.addi %mul3A_2, %add3A_190 : i32
    %run_scoped3A_192 = arith.constant 3 : i32
    "tpu.region"() ({
      %run_scoped3A_309 = tpu.sem_alloc : memref<!tpu.dma_semaphore, #tpu.memory_space<semaphore_mem>>
      %dma_start3A_310 = arith.constant 0 : i32
      %dma_start3A_311 = tpu.memref_slice %arg5[%run_scoped3A_192, %dma_start3A_310] : memref<4x640xi32, #tpu.memory_space<vmem>> -> memref<1x640xi32, #tpu.memory_space<vmem>>
      %dma_start3A_312 = tpu.memref_squeeze %dma_start3A_311 : memref<1x640xi32, #tpu.memory_space<vmem>> -> memref<640xi32, #tpu.memory_space<vmem>>
      %dma_start3A_313 = tpu.memref_slice %arg2[%add3A_191] : memref<819200xi32, #tpu.memory_space<hbm>> -> memref<640xi32, #tpu.memory_space<hbm>>
      %dma_start3A_314 = arith.constant 0 : i32
      %dma_start3A_315 = tpu.memref_slice %arg5[%run_scoped3A_192, %dma_start3A_314] : memref<4x640xi32, #tpu.memory_space<vmem>> -> memref<1x640xi32, #tpu.memory_space<vmem>>
      %dma_start3A_316 = tpu.memref_squeeze %dma_start3A_315 : memref<1x640xi32, #tpu.memory_space<vmem>> -> memref<640xi32, #tpu.memory_space<vmem>>
      %dma_start3A_317 = tpu.memref_slice %arg2[%add3A_191] : memref<819200xi32, #tpu.memory_space<hbm>> -> memref<640xi32, #tpu.memory_space<hbm>>
      tpu.enqueue_dma source(%dma_start3A_317 : memref<640xi32, #tpu.memory_space<hbm>>) target(%dma_start3A_316 : memref<640xi32, #tpu.memory_space<vmem>>) target_semaphore(%run_scoped3A_309 : memref<!tpu.dma_semaphore, #tpu.memory_space<semaphore_mem>>)
      %dma_wait3A_318 = arith.constant 0 : i32
      %dma_wait3A_319 = tpu.memref_slice %arg5[%run_scoped3A_192, %dma_wait3A_318] : memref<4x640xi32, #tpu.memory_space<vmem>> -> memref<1x640xi32, #tpu.memory_space<vmem>>
      %dma_wait3A_320 = tpu.memref_squeeze %dma_wait3A_319 : memref<1x640xi32, #tpu.memory_space<vmem>> -> memref<640xi32, #tpu.memory_space<vmem>>
      %dma_wait3A_321 = tpu.memref_slice %arg2[%add3A_191] : memref<819200xi32, #tpu.memory_space<hbm>> -> memref<640xi32, #tpu.memory_space<hbm>>
      %dma_wait3A_322 = arith.constant 0 : i32
      %dma_wait3A_323 = tpu.memref_slice %arg5[%run_scoped3A_192, %dma_wait3A_322] : memref<4x640xi32, #tpu.memory_space<vmem>> -> memref<1x640xi32, #tpu.memory_space<vmem>>
      %dma_wait3A_324 = tpu.memref_squeeze %dma_wait3A_323 : memref<1x640xi32, #tpu.memory_space<vmem>> -> memref<640xi32, #tpu.memory_space<vmem>>
      %dma_wait3A_325 = tpu.memref_slice %arg2[%add3A_191] : memref<819200xi32, #tpu.memory_space<hbm>> -> memref<640xi32, #tpu.memory_space<hbm>>
      tpu.wait_dma2 semaphore(%run_scoped3A_309 : memref<!tpu.dma_semaphore, #tpu.memory_space<semaphore_mem>>) src(%dma_wait3A_325 : memref<640xi32, #tpu.memory_space<hbm>>) dst(%dma_wait3A_324 : memref<640xi32, #tpu.memory_space<vmem>>)
      tpu.yield
    }) : () -> ()
    %dma_start3A_193 = arith.constant 3 : i32
    %dma_start3A_194 = arith.constant 3 : i32
    %dma_start3A_195 = arith.constant 0 : i32
    %dma_start3A_196 = arith.constant 0 : i32
    %dma_start3A_197 = tpu.memref_slice %arg6[%dma_start3A_194, %dma_start3A_195, %dma_start3A_196] : memref<4x640x32xf32, #tpu.memory_space<vmem>> -> memref<1x128x32xf32, #tpu.memory_space<vmem>>
    %dma_start3A_198 = tpu.memref_squeeze %dma_start3A_197 : memref<1x128x32xf32, #tpu.memory_space<vmem>> -> memref<128x32xf32, #tpu.memory_space<vmem>>
    %dma_start3A_199 = arith.constant 0 : i32
    %dma_start3A_200 = tpu.memref_slice %arg5[%dma_start3A_193, %dma_start3A_199] : memref<4x640xi32, #tpu.memory_space<vmem>> -> memref<1x128xi32, #tpu.memory_space<vmem>>
    %dma_start3A_201 = tpu.memref_squeeze %dma_start3A_200 : memref<1x128xi32, #tpu.memory_space<vmem>> -> memref<128xi32, #tpu.memory_space<vmem>>
    %dma_start3A_202 = arith.constant 0 : i32
    %dma_start3A_203 = arith.constant 0 : i32
    %dma_start3A_204 = tpu.memref_slice %arg3[%dma_start3A_202, %dma_start3A_203] : memref<1000000x32xf32, #tpu.memory_space<hbm>> -> memref<1000000x32xf32, #tpu.memory_space<hbm>>
    tpu.enqueue_indirect_dma source(%dma_start3A_204 : memref<1000000x32xf32, #tpu.memory_space<hbm>>) target(%dma_start3A_198 : memref<128x32xf32, #tpu.memory_space<vmem>>) offsets(%dma_start3A_201 : memref<128xi32, #tpu.memory_space<vmem>>) semaphore(%arg10 : memref<!tpu.dma_semaphore, #tpu.memory_space<semaphore_mem>>)
    %dma_start3A_205 = arith.constant 3 : i32
    %dma_start3A_206 = arith.constant 3 : i32
    %dma_start3A_207 = arith.constant 128 : i32
    %dma_start3A_208 = arith.constant 0 : i32
    %dma_start3A_209 = tpu.memref_slice %arg6[%dma_start3A_206, %dma_start3A_207, %dma_start3A_208] : memref<4x640x32xf32, #tpu.memory_space<vmem>> -> memref<1x128x32xf32, #tpu.memory_space<vmem>>
    %dma_start3A_210 = tpu.memref_squeeze %dma_start3A_209 : memref<1x128x32xf32, #tpu.memory_space<vmem>> -> memref<128x32xf32, #tpu.memory_space<vmem>>
    %dma_start3A_211 = arith.constant 128 : i32
    %dma_start3A_212 = tpu.memref_slice %arg5[%dma_start3A_205, %dma_start3A_211] : memref<4x640xi32, #tpu.memory_space<vmem>> -> memref<1x128xi32, #tpu.memory_space<vmem>>
    %dma_start3A_213 = tpu.memref_squeeze %dma_start3A_212 : memref<1x128xi32, #tpu.memory_space<vmem>> -> memref<128xi32, #tpu.memory_space<vmem>>
    %dma_start3A_214 = arith.constant 0 : i32
    %dma_start3A_215 = arith.constant 0 : i32
    %dma_start3A_216 = tpu.memref_slice %arg3[%dma_start3A_214, %dma_start3A_215] : memref<1000000x32xf32, #tpu.memory_space<hbm>> -> memref<1000000x32xf32, #tpu.memory_space<hbm>>
    tpu.enqueue_indirect_dma source(%dma_start3A_216 : memref<1000000x32xf32, #tpu.memory_space<hbm>>) target(%dma_start3A_210 : memref<128x32xf32, #tpu.memory_space<vmem>>) offsets(%dma_start3A_213 : memref<128xi32, #tpu.memory_space<vmem>>) semaphore(%arg10 : memref<!tpu.dma_semaphore, #tpu.memory_space<semaphore_mem>>)
    %dma_start3A_217 = arith.constant 3 : i32
    %dma_start3A_218 = arith.constant 3 : i32
    %dma_start3A_219 = arith.constant 256 : i32
    %dma_start3A_220 = arith.constant 0 : i32
    %dma_start3A_221 = tpu.memref_slice %arg6[%dma_start3A_218, %dma_start3A_219, %dma_start3A_220] : memref<4x640x32xf32, #tpu.memory_space<vmem>> -> memref<1x128x32xf32, #tpu.memory_space<vmem>>
    %dma_start3A_222 = tpu.memref_squeeze %dma_start3A_221 : memref<1x128x32xf32, #tpu.memory_space<vmem>> -> memref<128x32xf32, #tpu.memory_space<vmem>>
    %dma_start3A_223 = arith.constant 256 : i32
    %dma_start3A_224 = tpu.memref_slice %arg5[%dma_start3A_217, %dma_start3A_223] : memref<4x640xi32, #tpu.memory_space<vmem>> -> memref<1x128xi32, #tpu.memory_space<vmem>>
    %dma_start3A_225 = tpu.memref_squeeze %dma_start3A_224 : memref<1x128xi32, #tpu.memory_space<vmem>> -> memref<128xi32, #tpu.memory_space<vmem>>
    %dma_start3A_226 = arith.constant 0 : i32
    %dma_start3A_227 = arith.constant 0 : i32
    %dma_start3A_228 = tpu.memref_slice %arg3[%dma_start3A_226, %dma_start3A_227] : memref<1000000x32xf32, #tpu.memory_space<hbm>> -> memref<1000000x32xf32, #tpu.memory_space<hbm>>
    tpu.enqueue_indirect_dma source(%dma_start3A_228 : memref<1000000x32xf32, #tpu.memory_space<hbm>>) target(%dma_start3A_222 : memref<128x32xf32, #tpu.memory_space<vmem>>) offsets(%dma_start3A_225 : memref<128xi32, #tpu.memory_space<vmem>>) semaphore(%arg10 : memref<!tpu.dma_semaphore, #tpu.memory_space<semaphore_mem>>)
    %dma_start3A_229 = arith.constant 3 : i32
    %dma_start3A_230 = arith.constant 3 : i32
    %dma_start3A_231 = arith.constant 384 : i32
    %dma_start3A_232 = arith.constant 0 : i32
    %dma_start3A_233 = tpu.memref_slice %arg6[%dma_start3A_230, %dma_start3A_231, %dma_start3A_232] : memref<4x640x32xf32, #tpu.memory_space<vmem>> -> memref<1x128x32xf32, #tpu.memory_space<vmem>>
    %dma_start3A_234 = tpu.memref_squeeze %dma_start3A_233 : memref<1x128x32xf32, #tpu.memory_space<vmem>> -> memref<128x32xf32, #tpu.memory_space<vmem>>
    %dma_start3A_235 = arith.constant 384 : i32
    %dma_start3A_236 = tpu.memref_slice %arg5[%dma_start3A_229, %dma_start3A_235] : memref<4x640xi32, #tpu.memory_space<vmem>> -> memref<1x128xi32, #tpu.memory_space<vmem>>
    %dma_start3A_237 = tpu.memref_squeeze %dma_start3A_236 : memref<1x128xi32, #tpu.memory_space<vmem>> -> memref<128xi32, #tpu.memory_space<vmem>>
    %dma_start3A_238 = arith.constant 0 : i32
    %dma_start3A_239 = arith.constant 0 : i32
    %dma_start3A_240 = tpu.memref_slice %arg3[%dma_start3A_238, %dma_start3A_239] : memref<1000000x32xf32, #tpu.memory_space<hbm>> -> memref<1000000x32xf32, #tpu.memory_space<hbm>>
    tpu.enqueue_indirect_dma source(%dma_start3A_240 : memref<1000000x32xf32, #tpu.memory_space<hbm>>) target(%dma_start3A_234 : memref<128x32xf32, #tpu.memory_space<vmem>>) offsets(%dma_start3A_237 : memref<128xi32, #tpu.memory_space<vmem>>) semaphore(%arg10 : memref<!tpu.dma_semaphore, #tpu.memory_space<semaphore_mem>>)
    %dma_start3A_241 = arith.constant 3 : i32
    %dma_start3A_242 = arith.constant 3 : i32
    %dma_start3A_243 = arith.constant 512 : i32
    %dma_start3A_244 = arith.constant 0 : i32
    %dma_start3A_245 = tpu.memref_slice %arg6[%dma_start3A_242, %dma_start3A_243, %dma_start3A_244] : memref<4x640x32xf32, #tpu.memory_space<vmem>> -> memref<1x128x32xf32, #tpu.memory_space<vmem>>
    %dma_start3A_246 = tpu.memref_squeeze %dma_start3A_245 : memref<1x128x32xf32, #tpu.memory_space<vmem>> -> memref<128x32xf32, #tpu.memory_space<vmem>>
    %dma_start3A_247 = arith.constant 512 : i32
    %dma_start3A_248 = tpu.memref_slice %arg5[%dma_start3A_241, %dma_start3A_247] : memref<4x640xi32, #tpu.memory_space<vmem>> -> memref<1x128xi32, #tpu.memory_space<vmem>>
    %dma_start3A_249 = tpu.memref_squeeze %dma_start3A_248 : memref<1x128xi32, #tpu.memory_space<vmem>> -> memref<128xi32, #tpu.memory_space<vmem>>
    %dma_start3A_250 = arith.constant 0 : i32
    %dma_start3A_251 = arith.constant 0 : i32
    %dma_start3A_252 = tpu.memref_slice %arg3[%dma_start3A_250, %dma_start3A_251] : memref<1000000x32xf32, #tpu.memory_space<hbm>> -> memref<1000000x32xf32, #tpu.memory_space<hbm>>
    tpu.enqueue_indirect_dma source(%dma_start3A_252 : memref<1000000x32xf32, #tpu.memory_space<hbm>>) target(%dma_start3A_246 : memref<128x32xf32, #tpu.memory_space<vmem>>) offsets(%dma_start3A_249 : memref<128xi32, #tpu.memory_space<vmem>>) semaphore(%arg10 : memref<!tpu.dma_semaphore, #tpu.memory_space<semaphore_mem>>)
    %scan3A = arith.constant 0 : i32
    %scan3A_253 = arith.constant 0 : i32
    %scan3A_254 = arith.constant 10 : i32
    %scan3A_255 = arith.addi %scan3A_253, %scan3A_254 : i32
    %scan3A_256 = arith.constant 1 : i32
    scf.for %scan3A_309 = %scan3A_253 to %scan3A_255 step %scan3A_256  : i32 {
      %mul3A_310 = arith.constant 4 : i32
      %mul3A_311 = arith.muli %scan3A_309, %mul3A_310 : i32
      %add3A_312 = arith.constant 0 : i32
      %add3A_313 = arith.addi %mul3A_311, %add3A_312 : i32
      %mul3A_314 = arith.constant 640 : i32
      %mul3A_315 = arith.muli %add3A_313, %mul3A_314 : i32
      %add3A_316 = arith.addi %mul3A_2, %mul3A_315 : i32
      %dma_wait3A_317 = arith.constant 0 : i32
      %dma_wait3A_318 = arith.constant 0 : i32
      %dma_wait3A_319 = arith.constant 0 : i32
      %dma_wait3A_320 = arith.constant 0 : i32
      %dma_wait3A_321 = tpu.memref_slice %arg6[%dma_wait3A_318, %dma_wait3A_319, %dma_wait3A_320] : memref<4x640x32xf32, #tpu.memory_space<vmem>> -> memref<1x128x32xf32, #tpu.memory_space<vmem>>
      %dma_wait3A_322 = tpu.memref_squeeze %dma_wait3A_321 : memref<1x128x32xf32, #tpu.memory_space<vmem>> -> memref<128x32xf32, #tpu.memory_space<vmem>>
      %dma_wait3A_323 = arith.constant 0 : i32
      %dma_wait3A_324 = tpu.memref_slice %arg5[%dma_wait3A_317, %dma_wait3A_323] : memref<4x640xi32, #tpu.memory_space<vmem>> -> memref<1x128xi32, #tpu.memory_space<vmem>>
      %dma_wait3A_325 = tpu.memref_squeeze %dma_wait3A_324 : memref<1x128xi32, #tpu.memory_space<vmem>> -> memref<128xi32, #tpu.memory_space<vmem>>
      %dma_wait3A_326 = arith.constant 0 : i32
      %dma_wait3A_327 = arith.constant 0 : i32
      %dma_wait3A_328 = tpu.memref_slice %arg3[%dma_wait3A_326, %dma_wait3A_327] : memref<1000000x32xf32, #tpu.memory_space<hbm>> -> memref<1000000x32xf32, #tpu.memory_space<hbm>>
      tpu.wait_indirect_dma semaphore(%arg7 : memref<!tpu.dma_semaphore, #tpu.memory_space<semaphore_mem>>) src(%dma_wait3A_328 : memref<1000000x32xf32, #tpu.memory_space<hbm>>) dst(%dma_wait3A_322 : memref<128x32xf32, #tpu.memory_space<vmem>>)
      %dma_wait3A_329 = arith.constant 0 : i32
      %dma_wait3A_330 = arith.constant 0 : i32
      %dma_wait3A_331 = arith.constant 128 : i32
      %dma_wait3A_332 = arith.constant 0 : i32
      %dma_wait3A_333 = tpu.memref_slice %arg6[%dma_wait3A_330, %dma_wait3A_331, %dma_wait3A_332] : memref<4x640x32xf32, #tpu.memory_space<vmem>> -> memref<1x128x32xf32, #tpu.memory_space<vmem>>
      %dma_wait3A_334 = tpu.memref_squeeze %dma_wait3A_333 : memref<1x128x32xf32, #tpu.memory_space<vmem>> -> memref<128x32xf32, #tpu.memory_space<vmem>>
      %dma_wait3A_335 = arith.constant 128 : i32
      %dma_wait3A_336 = tpu.memref_slice %arg5[%dma_wait3A_329, %dma_wait3A_335] : memref<4x640xi32, #tpu.memory_space<vmem>> -> memref<1x128xi32, #tpu.memory_space<vmem>>
      %dma_wait3A_337 = tpu.memref_squeeze %dma_wait3A_336 : memref<1x128xi32, #tpu.memory_space<vmem>> -> memref<128xi32, #tpu.memory_space<vmem>>
      %dma_wait3A_338 = arith.constant 0 : i32
      %dma_wait3A_339 = arith.constant 0 : i32
      %dma_wait3A_340 = tpu.memref_slice %arg3[%dma_wait3A_338, %dma_wait3A_339] : memref<1000000x32xf32, #tpu.memory_space<hbm>> -> memref<1000000x32xf32, #tpu.memory_space<hbm>>
      tpu.wait_indirect_dma semaphore(%arg7 : memref<!tpu.dma_semaphore, #tpu.memory_space<semaphore_mem>>) src(%dma_wait3A_340 : memref<1000000x32xf32, #tpu.memory_space<hbm>>) dst(%dma_wait3A_334 : memref<128x32xf32, #tpu.memory_space<vmem>>)
      %dma_wait3A_341 = arith.constant 0 : i32
      %dma_wait3A_342 = arith.constant 0 : i32
      %dma_wait3A_343 = arith.constant 256 : i32
      %dma_wait3A_344 = arith.constant 0 : i32
      %dma_wait3A_345 = tpu.memref_slice %arg6[%dma_wait3A_342, %dma_wait3A_343, %dma_wait3A_344] : memref<4x640x32xf32, #tpu.memory_space<vmem>> -> memref<1x128x32xf32, #tpu.memory_space<vmem>>
      %dma_wait3A_346 = tpu.memref_squeeze %dma_wait3A_345 : memref<1x128x32xf32, #tpu.memory_space<vmem>> -> memref<128x32xf32, #tpu.memory_space<vmem>>
      %dma_wait3A_347 = arith.constant 256 : i32
      %dma_wait3A_348 = tpu.memref_slice %arg5[%dma_wait3A_341, %dma_wait3A_347] : memref<4x640xi32, #tpu.memory_space<vmem>> -> memref<1x128xi32, #tpu.memory_space<vmem>>
      %dma_wait3A_349 = tpu.memref_squeeze %dma_wait3A_348 : memref<1x128xi32, #tpu.memory_space<vmem>> -> memref<128xi32, #tpu.memory_space<vmem>>
      %dma_wait3A_350 = arith.constant 0 : i32
      %dma_wait3A_351 = arith.constant 0 : i32
      %dma_wait3A_352 = tpu.memref_slice %arg3[%dma_wait3A_350, %dma_wait3A_351] : memref<1000000x32xf32, #tpu.memory_space<hbm>> -> memref<1000000x32xf32, #tpu.memory_space<hbm>>
      tpu.wait_indirect_dma semaphore(%arg7 : memref<!tpu.dma_semaphore, #tpu.memory_space<semaphore_mem>>) src(%dma_wait3A_352 : memref<1000000x32xf32, #tpu.memory_space<hbm>>) dst(%dma_wait3A_346 : memref<128x32xf32, #tpu.memory_space<vmem>>)
      %dma_wait3A_353 = arith.constant 0 : i32
      %dma_wait3A_354 = arith.constant 0 : i32
      %dma_wait3A_355 = arith.constant 384 : i32
      %dma_wait3A_356 = arith.constant 0 : i32
      %dma_wait3A_357 = tpu.memref_slice %arg6[%dma_wait3A_354, %dma_wait3A_355, %dma_wait3A_356] : memref<4x640x32xf32, #tpu.memory_space<vmem>> -> memref<1x128x32xf32, #tpu.memory_space<vmem>>
      %dma_wait3A_358 = tpu.memref_squeeze %dma_wait3A_357 : memref<1x128x32xf32, #tpu.memory_space<vmem>> -> memref<128x32xf32, #tpu.memory_space<vmem>>
      %dma_wait3A_359 = arith.constant 384 : i32
      %dma_wait3A_360 = tpu.memref_slice %arg5[%dma_wait3A_353, %dma_wait3A_359] : memref<4x640xi32, #tpu.memory_space<vmem>> -> memref<1x128xi32, #tpu.memory_space<vmem>>
      %dma_wait3A_361 = tpu.memref_squeeze %dma_wait3A_360 : memref<1x128xi32, #tpu.memory_space<vmem>> -> memref<128xi32, #tpu.memory_space<vmem>>
      %dma_wait3A_362 = arith.constant 0 : i32
      %dma_wait3A_363 = arith.constant 0 : i32
      %dma_wait3A_364 = tpu.memref_slice %arg3[%dma_wait3A_362, %dma_wait3A_363] : memref<1000000x32xf32, #tpu.memory_space<hbm>> -> memref<1000000x32xf32, #tpu.memory_space<hbm>>
      tpu.wait_indirect_dma semaphore(%arg7 : memref<!tpu.dma_semaphore, #tpu.memory_space<semaphore_mem>>) src(%dma_wait3A_364 : memref<1000000x32xf32, #tpu.memory_space<hbm>>) dst(%dma_wait3A_358 : memref<128x32xf32, #tpu.memory_space<vmem>>)
      %dma_wait3A_365 = arith.constant 0 : i32
      %dma_wait3A_366 = arith.constant 0 : i32
      %dma_wait3A_367 = arith.constant 512 : i32
      %dma_wait3A_368 = arith.constant 0 : i32
      %dma_wait3A_369 = tpu.memref_slice %arg6[%dma_wait3A_366, %dma_wait3A_367, %dma_wait3A_368] : memref<4x640x32xf32, #tpu.memory_space<vmem>> -> memref<1x128x32xf32, #tpu.memory_space<vmem>>
      %dma_wait3A_370 = tpu.memref_squeeze %dma_wait3A_369 : memref<1x128x32xf32, #tpu.memory_space<vmem>> -> memref<128x32xf32, #tpu.memory_space<vmem>>
      %dma_wait3A_371 = arith.constant 512 : i32
      %dma_wait3A_372 = tpu.memref_slice %arg5[%dma_wait3A_365, %dma_wait3A_371] : memref<4x640xi32, #tpu.memory_space<vmem>> -> memref<1x128xi32, #tpu.memory_space<vmem>>
      %dma_wait3A_373 = tpu.memref_squeeze %dma_wait3A_372 : memref<1x128xi32, #tpu.memory_space<vmem>> -> memref<128xi32, #tpu.memory_space<vmem>>
      %dma_wait3A_374 = arith.constant 0 : i32
      %dma_wait3A_375 = arith.constant 0 : i32
      %dma_wait3A_376 = tpu.memref_slice %arg3[%dma_wait3A_374, %dma_wait3A_375] : memref<1000000x32xf32, #tpu.memory_space<hbm>> -> memref<1000000x32xf32, #tpu.memory_space<hbm>>
      tpu.wait_indirect_dma semaphore(%arg7 : memref<!tpu.dma_semaphore, #tpu.memory_space<semaphore_mem>>) src(%dma_wait3A_376 : memref<1000000x32xf32, #tpu.memory_space<hbm>>) dst(%dma_wait3A_370 : memref<128x32xf32, #tpu.memory_space<vmem>>)
      %dma_start3A_377 = arith.constant 0 : i32
      %dma_start3A_378 = arith.constant 0 : i32
      %dma_start3A_379 = arith.constant 0 : i32
      %dma_start3A_380 = tpu.memref_slice %arg6[%dma_start3A_377, %dma_start3A_378, %dma_start3A_379] : memref<4x640x32xf32, #tpu.memory_space<vmem>> -> memref<1x640x32xf32, #tpu.memory_space<vmem>>
      %dma_start3A_381 = tpu.memref_squeeze %dma_start3A_380 : memref<1x640x32xf32, #tpu.memory_space<vmem>> -> memref<640x32xf32, #tpu.memory_space<vmem>>
      %dma_start3A_382 = arith.constant 0 : i32
      %dma_start3A_383 = tpu.memref_slice %arg4[%add3A_316, %dma_start3A_382] : memref<819200x32xf32, #tpu.memory_space<hbm>> -> memref<640x32xf32, #tpu.memory_space<hbm>>
      %dma_start3A_384 = arith.constant 0 : i32
      %dma_start3A_385 = tpu.memref_slice %arg4[%add3A_316, %dma_start3A_384] : memref<819200x32xf32, #tpu.memory_space<hbm>> -> memref<640x32xf32, #tpu.memory_space<hbm>>
      %dma_start3A_386 = arith.constant 0 : i32
      %dma_start3A_387 = arith.constant 0 : i32
      %dma_start3A_388 = tpu.memref_slice %arg6[%dma_start3A_377, %dma_start3A_386, %dma_start3A_387] : memref<4x640x32xf32, #tpu.memory_space<vmem>> -> memref<1x640x32xf32, #tpu.memory_space<vmem>>
      %dma_start3A_389 = tpu.memref_squeeze %dma_start3A_388 : memref<1x640x32xf32, #tpu.memory_space<vmem>> -> memref<640x32xf32, #tpu.memory_space<vmem>>
      tpu.enqueue_dma source(%dma_start3A_389 : memref<640x32xf32, #tpu.memory_space<vmem>>) target(%dma_start3A_385 : memref<640x32xf32, #tpu.memory_space<hbm>>) target_semaphore(%arg11 : memref<!tpu.dma_semaphore, #tpu.memory_space<semaphore_mem>>)
      %mul3A_390 = arith.constant 4 : i32
      %mul3A_391 = arith.muli %scan3A_309, %mul3A_390 : i32
      %add3A_392 = arith.constant 1 : i32
      %add3A_393 = arith.addi %mul3A_391, %add3A_392 : i32
      %mul3A_394 = arith.constant 640 : i32
      %mul3A_395 = arith.muli %add3A_393, %mul3A_394 : i32
      %add3A_396 = arith.addi %mul3A_2, %mul3A_395 : i32
      %dma_wait3A_397 = arith.constant 1 : i32
      %dma_wait3A_398 = arith.constant 1 : i32
      %dma_wait3A_399 = arith.constant 0 : i32
      %dma_wait3A_400 = arith.constant 0 : i32
      %dma_wait3A_401 = tpu.memref_slice %arg6[%dma_wait3A_398, %dma_wait3A_399, %dma_wait3A_400] : memref<4x640x32xf32, #tpu.memory_space<vmem>> -> memref<1x128x32xf32, #tpu.memory_space<vmem>>
      %dma_wait3A_402 = tpu.memref_squeeze %dma_wait3A_401 : memref<1x128x32xf32, #tpu.memory_space<vmem>> -> memref<128x32xf32, #tpu.memory_space<vmem>>
      %dma_wait3A_403 = arith.constant 0 : i32
      %dma_wait3A_404 = tpu.memref_slice %arg5[%dma_wait3A_397, %dma_wait3A_403] : memref<4x640xi32, #tpu.memory_space<vmem>> -> memref<1x128xi32, #tpu.memory_space<vmem>>
      %dma_wait3A_405 = tpu.memref_squeeze %dma_wait3A_404 : memref<1x128xi32, #tpu.memory_space<vmem>> -> memref<128xi32, #tpu.memory_space<vmem>>
      %dma_wait3A_406 = arith.constant 0 : i32
      %dma_wait3A_407 = arith.constant 0 : i32
      %dma_wait3A_408 = tpu.memref_slice %arg3[%dma_wait3A_406, %dma_wait3A_407] : memref<1000000x32xf32, #tpu.memory_space<hbm>> -> memref<1000000x32xf32, #tpu.memory_space<hbm>>
      tpu.wait_indirect_dma semaphore(%arg8 : memref<!tpu.dma_semaphore, #tpu.memory_space<semaphore_mem>>) src(%dma_wait3A_408 : memref<1000000x32xf32, #tpu.memory_space<hbm>>) dst(%dma_wait3A_402 : memref<128x32xf32, #tpu.memory_space<vmem>>)
      %dma_wait3A_409 = arith.constant 1 : i32
      %dma_wait3A_410 = arith.constant 1 : i32
      %dma_wait3A_411 = arith.constant 128 : i32
      %dma_wait3A_412 = arith.constant 0 : i32
      %dma_wait3A_413 = tpu.memref_slice %arg6[%dma_wait3A_410, %dma_wait3A_411, %dma_wait3A_412] : memref<4x640x32xf32, #tpu.memory_space<vmem>> -> memref<1x128x32xf32, #tpu.memory_space<vmem>>
      %dma_wait3A_414 = tpu.memref_squeeze %dma_wait3A_413 : memref<1x128x32xf32, #tpu.memory_space<vmem>> -> memref<128x32xf32, #tpu.memory_space<vmem>>
      %dma_wait3A_415 = arith.constant 128 : i32
      %dma_wait3A_416 = tpu.memref_slice %arg5[%dma_wait3A_409, %dma_wait3A_415] : memref<4x640xi32, #tpu.memory_space<vmem>> -> memref<1x128xi32, #tpu.memory_space<vmem>>
      %dma_wait3A_417 = tpu.memref_squeeze %dma_wait3A_416 : memref<1x128xi32, #tpu.memory_space<vmem>> -> memref<128xi32, #tpu.memory_space<vmem>>
      %dma_wait3A_418 = arith.constant 0 : i32
      %dma_wait3A_419 = arith.constant 0 : i32
      %dma_wait3A_420 = tpu.memref_slice %arg3[%dma_wait3A_418, %dma_wait3A_419] : memref<1000000x32xf32, #tpu.memory_space<hbm>> -> memref<1000000x32xf32, #tpu.memory_space<hbm>>
      tpu.wait_indirect_dma semaphore(%arg8 : memref<!tpu.dma_semaphore, #tpu.memory_space<semaphore_mem>>) src(%dma_wait3A_420 : memref<1000000x32xf32, #tpu.memory_space<hbm>>) dst(%dma_wait3A_414 : memref<128x32xf32, #tpu.memory_space<vmem>>)
      %dma_wait3A_421 = arith.constant 1 : i32
      %dma_wait3A_422 = arith.constant 1 : i32
      %dma_wait3A_423 = arith.constant 256 : i32
      %dma_wait3A_424 = arith.constant 0 : i32
      %dma_wait3A_425 = tpu.memref_slice %arg6[%dma_wait3A_422, %dma_wait3A_423, %dma_wait3A_424] : memref<4x640x32xf32, #tpu.memory_space<vmem>> -> memref<1x128x32xf32, #tpu.memory_space<vmem>>
      %dma_wait3A_426 = tpu.memref_squeeze %dma_wait3A_425 : memref<1x128x32xf32, #tpu.memory_space<vmem>> -> memref<128x32xf32, #tpu.memory_space<vmem>>
      %dma_wait3A_427 = arith.constant 256 : i32
      %dma_wait3A_428 = tpu.memref_slice %arg5[%dma_wait3A_421, %dma_wait3A_427] : memref<4x640xi32, #tpu.memory_space<vmem>> -> memref<1x128xi32, #tpu.memory_space<vmem>>
      %dma_wait3A_429 = tpu.memref_squeeze %dma_wait3A_428 : memref<1x128xi32, #tpu.memory_space<vmem>> -> memref<128xi32, #tpu.memory_space<vmem>>
      %dma_wait3A_430 = arith.constant 0 : i32
      %dma_wait3A_431 = arith.constant 0 : i32
      %dma_wait3A_432 = tpu.memref_slice %arg3[%dma_wait3A_430, %dma_wait3A_431] : memref<1000000x32xf32, #tpu.memory_space<hbm>> -> memref<1000000x32xf32, #tpu.memory_space<hbm>>
      tpu.wait_indirect_dma semaphore(%arg8 : memref<!tpu.dma_semaphore, #tpu.memory_space<semaphore_mem>>) src(%dma_wait3A_432 : memref<1000000x32xf32, #tpu.memory_space<hbm>>) dst(%dma_wait3A_426 : memref<128x32xf32, #tpu.memory_space<vmem>>)
      %dma_wait3A_433 = arith.constant 1 : i32
      %dma_wait3A_434 = arith.constant 1 : i32
      %dma_wait3A_435 = arith.constant 384 : i32
      %dma_wait3A_436 = arith.constant 0 : i32
      %dma_wait3A_437 = tpu.memref_slice %arg6[%dma_wait3A_434, %dma_wait3A_435, %dma_wait3A_436] : memref<4x640x32xf32, #tpu.memory_space<vmem>> -> memref<1x128x32xf32, #tpu.memory_space<vmem>>
      %dma_wait3A_438 = tpu.memref_squeeze %dma_wait3A_437 : memref<1x128x32xf32, #tpu.memory_space<vmem>> -> memref<128x32xf32, #tpu.memory_space<vmem>>
      %dma_wait3A_439 = arith.constant 384 : i32
      %dma_wait3A_440 = tpu.memref_slice %arg5[%dma_wait3A_433, %dma_wait3A_439] : memref<4x640xi32, #tpu.memory_space<vmem>> -> memref<1x128xi32, #tpu.memory_space<vmem>>
      %dma_wait3A_441 = tpu.memref_squeeze %dma_wait3A_440 : memref<1x128xi32, #tpu.memory_space<vmem>> -> memref<128xi32, #tpu.memory_space<vmem>>
      %dma_wait3A_442 = arith.constant 0 : i32
      %dma_wait3A_443 = arith.constant 0 : i32
      %dma_wait3A_444 = tpu.memref_slice %arg3[%dma_wait3A_442, %dma_wait3A_443] : memref<1000000x32xf32, #tpu.memory_space<hbm>> -> memref<1000000x32xf32, #tpu.memory_space<hbm>>
      tpu.wait_indirect_dma semaphore(%arg8 : memref<!tpu.dma_semaphore, #tpu.memory_space<semaphore_mem>>) src(%dma_wait3A_444 : memref<1000000x32xf32, #tpu.memory_space<hbm>>) dst(%dma_wait3A_438 : memref<128x32xf32, #tpu.memory_space<vmem>>)
      %dma_wait3A_445 = arith.constant 1 : i32
      %dma_wait3A_446 = arith.constant 1 : i32
      %dma_wait3A_447 = arith.constant 512 : i32
      %dma_wait3A_448 = arith.constant 0 : i32
      %dma_wait3A_449 = tpu.memref_slice %arg6[%dma_wait3A_446, %dma_wait3A_447, %dma_wait3A_448] : memref<4x640x32xf32, #tpu.memory_space<vmem>> -> memref<1x128x32xf32, #tpu.memory_space<vmem>>
      %dma_wait3A_450 = tpu.memref_squeeze %dma_wait3A_449 : memref<1x128x32xf32, #tpu.memory_space<vmem>> -> memref<128x32xf32, #tpu.memory_space<vmem>>
      %dma_wait3A_451 = arith.constant 512 : i32
      %dma_wait3A_452 = tpu.memref_slice %arg5[%dma_wait3A_445, %dma_wait3A_451] : memref<4x640xi32, #tpu.memory_space<vmem>> -> memref<1x128xi32, #tpu.memory_space<vmem>>
      %dma_wait3A_453 = tpu.memref_squeeze %dma_wait3A_452 : memref<1x128xi32, #tpu.memory_space<vmem>> -> memref<128xi32, #tpu.memory_space<vmem>>
      %dma_wait3A_454 = arith.constant 0 : i32
      %dma_wait3A_455 = arith.constant 0 : i32
      %dma_wait3A_456 = tpu.memref_slice %arg3[%dma_wait3A_454, %dma_wait3A_455] : memref<1000000x32xf32, #tpu.memory_space<hbm>> -> memref<1000000x32xf32, #tpu.memory_space<hbm>>
      tpu.wait_indirect_dma semaphore(%arg8 : memref<!tpu.dma_semaphore, #tpu.memory_space<semaphore_mem>>) src(%dma_wait3A_456 : memref<1000000x32xf32, #tpu.memory_space<hbm>>) dst(%dma_wait3A_450 : memref<128x32xf32, #tpu.memory_space<vmem>>)
      %dma_start3A_457 = arith.constant 1 : i32
      %dma_start3A_458 = arith.constant 0 : i32
      %dma_start3A_459 = arith.constant 0 : i32
      %dma_start3A_460 = tpu.memref_slice %arg6[%dma_start3A_457, %dma_start3A_458, %dma_start3A_459] : memref<4x640x32xf32, #tpu.memory_space<vmem>> -> memref<1x640x32xf32, #tpu.memory_space<vmem>>
      %dma_start3A_461 = tpu.memref_squeeze %dma_start3A_460 : memref<1x640x32xf32, #tpu.memory_space<vmem>> -> memref<640x32xf32, #tpu.memory_space<vmem>>
      %dma_start3A_462 = arith.constant 0 : i32
      %dma_start3A_463 = tpu.memref_slice %arg4[%add3A_396, %dma_start3A_462] : memref<819200x32xf32, #tpu.memory_space<hbm>> -> memref<640x32xf32, #tpu.memory_space<hbm>>
      %dma_start3A_464 = arith.constant 0 : i32
      %dma_start3A_465 = tpu.memref_slice %arg4[%add3A_396, %dma_start3A_464] : memref<819200x32xf32, #tpu.memory_space<hbm>> -> memref<640x32xf32, #tpu.memory_space<hbm>>
      %dma_start3A_466 = arith.constant 0 : i32
      %dma_start3A_467 = arith.constant 0 : i32
      %dma_start3A_468 = tpu.memref_slice %arg6[%dma_start3A_457, %dma_start3A_466, %dma_start3A_467] : memref<4x640x32xf32, #tpu.memory_space<vmem>> -> memref<1x640x32xf32, #tpu.memory_space<vmem>>
      %dma_start3A_469 = tpu.memref_squeeze %dma_start3A_468 : memref<1x640x32xf32, #tpu.memory_space<vmem>> -> memref<640x32xf32, #tpu.memory_space<vmem>>
      tpu.enqueue_dma source(%dma_start3A_469 : memref<640x32xf32, #tpu.memory_space<vmem>>) target(%dma_start3A_465 : memref<640x32xf32, #tpu.memory_space<hbm>>) target_semaphore(%arg12 : memref<!tpu.dma_semaphore, #tpu.memory_space<semaphore_mem>>)
      %mul3A_470 = arith.constant 4 : i32
      %mul3A_471 = arith.muli %scan3A_309, %mul3A_470 : i32
      %add3A_472 = arith.constant 2 : i32
      %add3A_473 = arith.addi %mul3A_471, %add3A_472 : i32
      %mul3A_474 = arith.constant 640 : i32
      %mul3A_475 = arith.muli %add3A_473, %mul3A_474 : i32
      %add3A_476 = arith.addi %mul3A_2, %mul3A_475 : i32
      %dma_wait3A_477 = arith.constant 2 : i32
      %dma_wait3A_478 = arith.constant 2 : i32
      %dma_wait3A_479 = arith.constant 0 : i32
      %dma_wait3A_480 = arith.constant 0 : i32
      %dma_wait3A_481 = tpu.memref_slice %arg6[%dma_wait3A_478, %dma_wait3A_479, %dma_wait3A_480] : memref<4x640x32xf32, #tpu.memory_space<vmem>> -> memref<1x128x32xf32, #tpu.memory_space<vmem>>
      %dma_wait3A_482 = tpu.memref_squeeze %dma_wait3A_481 : memref<1x128x32xf32, #tpu.memory_space<vmem>> -> memref<128x32xf32, #tpu.memory_space<vmem>>
      %dma_wait3A_483 = arith.constant 0 : i32
      %dma_wait3A_484 = tpu.memref_slice %arg5[%dma_wait3A_477, %dma_wait3A_483] : memref<4x640xi32, #tpu.memory_space<vmem>> -> memref<1x128xi32, #tpu.memory_space<vmem>>
      %dma_wait3A_485 = tpu.memref_squeeze %dma_wait3A_484 : memref<1x128xi32, #tpu.memory_space<vmem>> -> memref<128xi32, #tpu.memory_space<vmem>>
      %dma_wait3A_486 = arith.constant 0 : i32
      %dma_wait3A_487 = arith.constant 0 : i32
      %dma_wait3A_488 = tpu.memref_slice %arg3[%dma_wait3A_486, %dma_wait3A_487] : memref<1000000x32xf32, #tpu.memory_space<hbm>> -> memref<1000000x32xf32, #tpu.memory_space<hbm>>
      tpu.wait_indirect_dma semaphore(%arg9 : memref<!tpu.dma_semaphore, #tpu.memory_space<semaphore_mem>>) src(%dma_wait3A_488 : memref<1000000x32xf32, #tpu.memory_space<hbm>>) dst(%dma_wait3A_482 : memref<128x32xf32, #tpu.memory_space<vmem>>)
      %dma_wait3A_489 = arith.constant 2 : i32
      %dma_wait3A_490 = arith.constant 2 : i32
      %dma_wait3A_491 = arith.constant 128 : i32
      %dma_wait3A_492 = arith.constant 0 : i32
      %dma_wait3A_493 = tpu.memref_slice %arg6[%dma_wait3A_490, %dma_wait3A_491, %dma_wait3A_492] : memref<4x640x32xf32, #tpu.memory_space<vmem>> -> memref<1x128x32xf32, #tpu.memory_space<vmem>>
      %dma_wait3A_494 = tpu.memref_squeeze %dma_wait3A_493 : memref<1x128x32xf32, #tpu.memory_space<vmem>> -> memref<128x32xf32, #tpu.memory_space<vmem>>
      %dma_wait3A_495 = arith.constant 128 : i32
      %dma_wait3A_496 = tpu.memref_slice %arg5[%dma_wait3A_489, %dma_wait3A_495] : memref<4x640xi32, #tpu.memory_space<vmem>> -> memref<1x128xi32, #tpu.memory_space<vmem>>
      %dma_wait3A_497 = tpu.memref_squeeze %dma_wait3A_496 : memref<1x128xi32, #tpu.memory_space<vmem>> -> memref<128xi32, #tpu.memory_space<vmem>>
      %dma_wait3A_498 = arith.constant 0 : i32
      %dma_wait3A_499 = arith.constant 0 : i32
      %dma_wait3A_500 = tpu.memref_slice %arg3[%dma_wait3A_498, %dma_wait3A_499] : memref<1000000x32xf32, #tpu.memory_space<hbm>> -> memref<1000000x32xf32, #tpu.memory_space<hbm>>
      tpu.wait_indirect_dma semaphore(%arg9 : memref<!tpu.dma_semaphore, #tpu.memory_space<semaphore_mem>>) src(%dma_wait3A_500 : memref<1000000x32xf32, #tpu.memory_space<hbm>>) dst(%dma_wait3A_494 : memref<128x32xf32, #tpu.memory_space<vmem>>)
      %dma_wait3A_501 = arith.constant 2 : i32
      %dma_wait3A_502 = arith.constant 2 : i32
      %dma_wait3A_503 = arith.constant 256 : i32
      %dma_wait3A_504 = arith.constant 0 : i32
      %dma_wait3A_505 = tpu.memref_slice %arg6[%dma_wait3A_502, %dma_wait3A_503, %dma_wait3A_504] : memref<4x640x32xf32, #tpu.memory_space<vmem>> -> memref<1x128x32xf32, #tpu.memory_space<vmem>>
      %dma_wait3A_506 = tpu.memref_squeeze %dma_wait3A_505 : memref<1x128x32xf32, #tpu.memory_space<vmem>> -> memref<128x32xf32, #tpu.memory_space<vmem>>
      %dma_wait3A_507 = arith.constant 256 : i32
      %dma_wait3A_508 = tpu.memref_slice %arg5[%dma_wait3A_501, %dma_wait3A_507] : memref<4x640xi32, #tpu.memory_space<vmem>> -> memref<1x128xi32, #tpu.memory_space<vmem>>
      %dma_wait3A_509 = tpu.memref_squeeze %dma_wait3A_508 : memref<1x128xi32, #tpu.memory_space<vmem>> -> memref<128xi32, #tpu.memory_space<vmem>>
      %dma_wait3A_510 = arith.constant 0 : i32
      %dma_wait3A_511 = arith.constant 0 : i32
      %dma_wait3A_512 = tpu.memref_slice %arg3[%dma_wait3A_510, %dma_wait3A_511] : memref<1000000x32xf32, #tpu.memory_space<hbm>> -> memref<1000000x32xf32, #tpu.memory_space<hbm>>
      tpu.wait_indirect_dma semaphore(%arg9 : memref<!tpu.dma_semaphore, #tpu.memory_space<semaphore_mem>>) src(%dma_wait3A_512 : memref<1000000x32xf32, #tpu.memory_space<hbm>>) dst(%dma_wait3A_506 : memref<128x32xf32, #tpu.memory_space<vmem>>)
      %dma_wait3A_513 = arith.constant 2 : i32
      %dma_wait3A_514 = arith.constant 2 : i32
      %dma_wait3A_515 = arith.constant 384 : i32
      %dma_wait3A_516 = arith.constant 0 : i32
      %dma_wait3A_517 = tpu.memref_slice %arg6[%dma_wait3A_514, %dma_wait3A_515, %dma_wait3A_516] : memref<4x640x32xf32, #tpu.memory_space<vmem>> -> memref<1x128x32xf32, #tpu.memory_space<vmem>>
      %dma_wait3A_518 = tpu.memref_squeeze %dma_wait3A_517 : memref<1x128x32xf32, #tpu.memory_space<vmem>> -> memref<128x32xf32, #tpu.memory_space<vmem>>
      %dma_wait3A_519 = arith.constant 384 : i32
      %dma_wait3A_520 = tpu.memref_slice %arg5[%dma_wait3A_513, %dma_wait3A_519] : memref<4x640xi32, #tpu.memory_space<vmem>> -> memref<1x128xi32, #tpu.memory_space<vmem>>
      %dma_wait3A_521 = tpu.memref_squeeze %dma_wait3A_520 : memref<1x128xi32, #tpu.memory_space<vmem>> -> memref<128xi32, #tpu.memory_space<vmem>>
      %dma_wait3A_522 = arith.constant 0 : i32
      %dma_wait3A_523 = arith.constant 0 : i32
      %dma_wait3A_524 = tpu.memref_slice %arg3[%dma_wait3A_522, %dma_wait3A_523] : memref<1000000x32xf32, #tpu.memory_space<hbm>> -> memref<1000000x32xf32, #tpu.memory_space<hbm>>
      tpu.wait_indirect_dma semaphore(%arg9 : memref<!tpu.dma_semaphore, #tpu.memory_space<semaphore_mem>>) src(%dma_wait3A_524 : memref<1000000x32xf32, #tpu.memory_space<hbm>>) dst(%dma_wait3A_518 : memref<128x32xf32, #tpu.memory_space<vmem>>)
      %dma_wait3A_525 = arith.constant 2 : i32
      %dma_wait3A_526 = arith.constant 2 : i32
      %dma_wait3A_527 = arith.constant 512 : i32
      %dma_wait3A_528 = arith.constant 0 : i32
      %dma_wait3A_529 = tpu.memref_slice %arg6[%dma_wait3A_526, %dma_wait3A_527, %dma_wait3A_528] : memref<4x640x32xf32, #tpu.memory_space<vmem>> -> memref<1x128x32xf32, #tpu.memory_space<vmem>>
      %dma_wait3A_530 = tpu.memref_squeeze %dma_wait3A_529 : memref<1x128x32xf32, #tpu.memory_space<vmem>> -> memref<128x32xf32, #tpu.memory_space<vmem>>
      %dma_wait3A_531 = arith.constant 512 : i32
      %dma_wait3A_532 = tpu.memref_slice %arg5[%dma_wait3A_525, %dma_wait3A_531] : memref<4x640xi32, #tpu.memory_space<vmem>> -> memref<1x128xi32, #tpu.memory_space<vmem>>
      %dma_wait3A_533 = tpu.memref_squeeze %dma_wait3A_532 : memref<1x128xi32, #tpu.memory_space<vmem>> -> memref<128xi32, #tpu.memory_space<vmem>>
      %dma_wait3A_534 = arith.constant 0 : i32
      %dma_wait3A_535 = arith.constant 0 : i32
      %dma_wait3A_536 = tpu.memref_slice %arg3[%dma_wait3A_534, %dma_wait3A_535] : memref<1000000x32xf32, #tpu.memory_space<hbm>> -> memref<1000000x32xf32, #tpu.memory_space<hbm>>
      tpu.wait_indirect_dma semaphore(%arg9 : memref<!tpu.dma_semaphore, #tpu.memory_space<semaphore_mem>>) src(%dma_wait3A_536 : memref<1000000x32xf32, #tpu.memory_space<hbm>>) dst(%dma_wait3A_530 : memref<128x32xf32, #tpu.memory_space<vmem>>)
      %dma_start3A_537 = arith.constant 2 : i32
      %dma_start3A_538 = arith.constant 0 : i32
      %dma_start3A_539 = arith.constant 0 : i32
      %dma_start3A_540 = tpu.memref_slice %arg6[%dma_start3A_537, %dma_start3A_538, %dma_start3A_539] : memref<4x640x32xf32, #tpu.memory_space<vmem>> -> memref<1x640x32xf32, #tpu.memory_space<vmem>>
      %dma_start3A_541 = tpu.memref_squeeze %dma_start3A_540 : memref<1x640x32xf32, #tpu.memory_space<vmem>> -> memref<640x32xf32, #tpu.memory_space<vmem>>
      %dma_start3A_542 = arith.constant 0 : i32
      %dma_start3A_543 = tpu.memref_slice %arg4[%add3A_476, %dma_start3A_542] : memref<819200x32xf32, #tpu.memory_space<hbm>> -> memref<640x32xf32, #tpu.memory_space<hbm>>
      %dma_start3A_544 = arith.constant 0 : i32
      %dma_start3A_545 = tpu.memref_slice %arg4[%add3A_476, %dma_start3A_544] : memref<819200x32xf32, #tpu.memory_space<hbm>> -> memref<640x32xf32, #tpu.memory_space<hbm>>
      %dma_start3A_546 = arith.constant 0 : i32
      %dma_start3A_547 = arith.constant 0 : i32
      %dma_start3A_548 = tpu.memref_slice %arg6[%dma_start3A_537, %dma_start3A_546, %dma_start3A_547] : memref<4x640x32xf32, #tpu.memory_space<vmem>> -> memref<1x640x32xf32, #tpu.memory_space<vmem>>
      %dma_start3A_549 = tpu.memref_squeeze %dma_start3A_548 : memref<1x640x32xf32, #tpu.memory_space<vmem>> -> memref<640x32xf32, #tpu.memory_space<vmem>>
      tpu.enqueue_dma source(%dma_start3A_549 : memref<640x32xf32, #tpu.memory_space<vmem>>) target(%dma_start3A_545 : memref<640x32xf32, #tpu.memory_space<hbm>>) target_semaphore(%arg13 : memref<!tpu.dma_semaphore, #tpu.memory_space<semaphore_mem>>)
      %mul3A_550 = arith.constant 4 : i32
      %mul3A_551 = arith.muli %scan3A_309, %mul3A_550 : i32
      %add3A_552 = arith.constant 3 : i32
      %add3A_553 = arith.addi %mul3A_551, %add3A_552 : i32
      %mul3A_554 = arith.constant 640 : i32
      %mul3A_555 = arith.muli %add3A_553, %mul3A_554 : i32
      %add3A_556 = arith.addi %mul3A_2, %mul3A_555 : i32
      %dma_wait3A_557 = arith.constant 3 : i32
      %dma_wait3A_558 = arith.constant 3 : i32
      %dma_wait3A_559 = arith.constant 0 : i32
      %dma_wait3A_560 = arith.constant 0 : i32
      %dma_wait3A_561 = tpu.memref_slice %arg6[%dma_wait3A_558, %dma_wait3A_559, %dma_wait3A_560] : memref<4x640x32xf32, #tpu.memory_space<vmem>> -> memref<1x128x32xf32, #tpu.memory_space<vmem>>
      %dma_wait3A_562 = tpu.memref_squeeze %dma_wait3A_561 : memref<1x128x32xf32, #tpu.memory_space<vmem>> -> memref<128x32xf32, #tpu.memory_space<vmem>>
      %dma_wait3A_563 = arith.constant 0 : i32
      %dma_wait3A_564 = tpu.memref_slice %arg5[%dma_wait3A_557, %dma_wait3A_563] : memref<4x640xi32, #tpu.memory_space<vmem>> -> memref<1x128xi32, #tpu.memory_space<vmem>>
      %dma_wait3A_565 = tpu.memref_squeeze %dma_wait3A_564 : memref<1x128xi32, #tpu.memory_space<vmem>> -> memref<128xi32, #tpu.memory_space<vmem>>
      %dma_wait3A_566 = arith.constant 0 : i32
      %dma_wait3A_567 = arith.constant 0 : i32
      %dma_wait3A_568 = tpu.memref_slice %arg3[%dma_wait3A_566, %dma_wait3A_567] : memref<1000000x32xf32, #tpu.memory_space<hbm>> -> memref<1000000x32xf32, #tpu.memory_space<hbm>>
      tpu.wait_indirect_dma semaphore(%arg10 : memref<!tpu.dma_semaphore, #tpu.memory_space<semaphore_mem>>) src(%dma_wait3A_568 : memref<1000000x32xf32, #tpu.memory_space<hbm>>) dst(%dma_wait3A_562 : memref<128x32xf32, #tpu.memory_space<vmem>>)
      %dma_wait3A_569 = arith.constant 3 : i32
      %dma_wait3A_570 = arith.constant 3 : i32
      %dma_wait3A_571 = arith.constant 128 : i32
      %dma_wait3A_572 = arith.constant 0 : i32
      %dma_wait3A_573 = tpu.memref_slice %arg6[%dma_wait3A_570, %dma_wait3A_571, %dma_wait3A_572] : memref<4x640x32xf32, #tpu.memory_space<vmem>> -> memref<1x128x32xf32, #tpu.memory_space<vmem>>
      %dma_wait3A_574 = tpu.memref_squeeze %dma_wait3A_573 : memref<1x128x32xf32, #tpu.memory_space<vmem>> -> memref<128x32xf32, #tpu.memory_space<vmem>>
      %dma_wait3A_575 = arith.constant 128 : i32
      %dma_wait3A_576 = tpu.memref_slice %arg5[%dma_wait3A_569, %dma_wait3A_575] : memref<4x640xi32, #tpu.memory_space<vmem>> -> memref<1x128xi32, #tpu.memory_space<vmem>>
      %dma_wait3A_577 = tpu.memref_squeeze %dma_wait3A_576 : memref<1x128xi32, #tpu.memory_space<vmem>> -> memref<128xi32, #tpu.memory_space<vmem>>
      %dma_wait3A_578 = arith.constant 0 : i32
      %dma_wait3A_579 = arith.constant 0 : i32
      %dma_wait3A_580 = tpu.memref_slice %arg3[%dma_wait3A_578, %dma_wait3A_579] : memref<1000000x32xf32, #tpu.memory_space<hbm>> -> memref<1000000x32xf32, #tpu.memory_space<hbm>>
      tpu.wait_indirect_dma semaphore(%arg10 : memref<!tpu.dma_semaphore, #tpu.memory_space<semaphore_mem>>) src(%dma_wait3A_580 : memref<1000000x32xf32, #tpu.memory_space<hbm>>) dst(%dma_wait3A_574 : memref<128x32xf32, #tpu.memory_space<vmem>>)
      %dma_wait3A_581 = arith.constant 3 : i32
      %dma_wait3A_582 = arith.constant 3 : i32
      %dma_wait3A_583 = arith.constant 256 : i32
      %dma_wait3A_584 = arith.constant 0 : i32
      %dma_wait3A_585 = tpu.memref_slice %arg6[%dma_wait3A_582, %dma_wait3A_583, %dma_wait3A_584] : memref<4x640x32xf32, #tpu.memory_space<vmem>> -> memref<1x128x32xf32, #tpu.memory_space<vmem>>
      %dma_wait3A_586 = tpu.memref_squeeze %dma_wait3A_585 : memref<1x128x32xf32, #tpu.memory_space<vmem>> -> memref<128x32xf32, #tpu.memory_space<vmem>>
      %dma_wait3A_587 = arith.constant 256 : i32
      %dma_wait3A_588 = tpu.memref_slice %arg5[%dma_wait3A_581, %dma_wait3A_587] : memref<4x640xi32, #tpu.memory_space<vmem>> -> memref<1x128xi32, #tpu.memory_space<vmem>>
      %dma_wait3A_589 = tpu.memref_squeeze %dma_wait3A_588 : memref<1x128xi32, #tpu.memory_space<vmem>> -> memref<128xi32, #tpu.memory_space<vmem>>
      %dma_wait3A_590 = arith.constant 0 : i32
      %dma_wait3A_591 = arith.constant 0 : i32
      %dma_wait3A_592 = tpu.memref_slice %arg3[%dma_wait3A_590, %dma_wait3A_591] : memref<1000000x32xf32, #tpu.memory_space<hbm>> -> memref<1000000x32xf32, #tpu.memory_space<hbm>>
      tpu.wait_indirect_dma semaphore(%arg10 : memref<!tpu.dma_semaphore, #tpu.memory_space<semaphore_mem>>) src(%dma_wait3A_592 : memref<1000000x32xf32, #tpu.memory_space<hbm>>) dst(%dma_wait3A_586 : memref<128x32xf32, #tpu.memory_space<vmem>>)
      %dma_wait3A_593 = arith.constant 3 : i32
      %dma_wait3A_594 = arith.constant 3 : i32
      %dma_wait3A_595 = arith.constant 384 : i32
      %dma_wait3A_596 = arith.constant 0 : i32
      %dma_wait3A_597 = tpu.memref_slice %arg6[%dma_wait3A_594, %dma_wait3A_595, %dma_wait3A_596] : memref<4x640x32xf32, #tpu.memory_space<vmem>> -> memref<1x128x32xf32, #tpu.memory_space<vmem>>
      %dma_wait3A_598 = tpu.memref_squeeze %dma_wait3A_597 : memref<1x128x32xf32, #tpu.memory_space<vmem>> -> memref<128x32xf32, #tpu.memory_space<vmem>>
      %dma_wait3A_599 = arith.constant 384 : i32
      %dma_wait3A_600 = tpu.memref_slice %arg5[%dma_wait3A_593, %dma_wait3A_599] : memref<4x640xi32, #tpu.memory_space<vmem>> -> memref<1x128xi32, #tpu.memory_space<vmem>>
      %dma_wait3A_601 = tpu.memref_squeeze %dma_wait3A_600 : memref<1x128xi32, #tpu.memory_space<vmem>> -> memref<128xi32, #tpu.memory_space<vmem>>
      %dma_wait3A_602 = arith.constant 0 : i32
      %dma_wait3A_603 = arith.constant 0 : i32
      %dma_wait3A_604 = tpu.memref_slice %arg3[%dma_wait3A_602, %dma_wait3A_603] : memref<1000000x32xf32, #tpu.memory_space<hbm>> -> memref<1000000x32xf32, #tpu.memory_space<hbm>>
      tpu.wait_indirect_dma semaphore(%arg10 : memref<!tpu.dma_semaphore, #tpu.memory_space<semaphore_mem>>) src(%dma_wait3A_604 : memref<1000000x32xf32, #tpu.memory_space<hbm>>) dst(%dma_wait3A_598 : memref<128x32xf32, #tpu.memory_space<vmem>>)
      %dma_wait3A_605 = arith.constant 3 : i32
      %dma_wait3A_606 = arith.constant 3 : i32
      %dma_wait3A_607 = arith.constant 512 : i32
      %dma_wait3A_608 = arith.constant 0 : i32
      %dma_wait3A_609 = tpu.memref_slice %arg6[%dma_wait3A_606, %dma_wait3A_607, %dma_wait3A_608] : memref<4x640x32xf32, #tpu.memory_space<vmem>> -> memref<1x128x32xf32, #tpu.memory_space<vmem>>
      %dma_wait3A_610 = tpu.memref_squeeze %dma_wait3A_609 : memref<1x128x32xf32, #tpu.memory_space<vmem>> -> memref<128x32xf32, #tpu.memory_space<vmem>>
      %dma_wait3A_611 = arith.constant 512 : i32
      %dma_wait3A_612 = tpu.memref_slice %arg5[%dma_wait3A_605, %dma_wait3A_611] : memref<4x640xi32, #tpu.memory_space<vmem>> -> memref<1x128xi32, #tpu.memory_space<vmem>>
      %dma_wait3A_613 = tpu.memref_squeeze %dma_wait3A_612 : memref<1x128xi32, #tpu.memory_space<vmem>> -> memref<128xi32, #tpu.memory_space<vmem>>
      %dma_wait3A_614 = arith.constant 0 : i32
      %dma_wait3A_615 = arith.constant 0 : i32
      %dma_wait3A_616 = tpu.memref_slice %arg3[%dma_wait3A_614, %dma_wait3A_615] : memref<1000000x32xf32, #tpu.memory_space<hbm>> -> memref<1000000x32xf32, #tpu.memory_space<hbm>>
      tpu.wait_indirect_dma semaphore(%arg10 : memref<!tpu.dma_semaphore, #tpu.memory_space<semaphore_mem>>) src(%dma_wait3A_616 : memref<1000000x32xf32, #tpu.memory_space<hbm>>) dst(%dma_wait3A_610 : memref<128x32xf32, #tpu.memory_space<vmem>>)
      %dma_start3A_617 = arith.constant 3 : i32
      %dma_start3A_618 = arith.constant 0 : i32
      %dma_start3A_619 = arith.constant 0 : i32
      %dma_start3A_620 = tpu.memref_slice %arg6[%dma_start3A_617, %dma_start3A_618, %dma_start3A_619] : memref<4x640x32xf32, #tpu.memory_space<vmem>> -> memref<1x640x32xf32, #tpu.memory_space<vmem>>
      %dma_start3A_621 = tpu.memref_squeeze %dma_start3A_620 : memref<1x640x32xf32, #tpu.memory_space<vmem>> -> memref<640x32xf32, #tpu.memory_space<vmem>>
      %dma_start3A_622 = arith.constant 0 : i32
      %dma_start3A_623 = tpu.memref_slice %arg4[%add3A_556, %dma_start3A_622] : memref<819200x32xf32, #tpu.memory_space<hbm>> -> memref<640x32xf32, #tpu.memory_space<hbm>>
      %dma_start3A_624 = arith.constant 0 : i32
      %dma_start3A_625 = tpu.memref_slice %arg4[%add3A_556, %dma_start3A_624] : memref<819200x32xf32, #tpu.memory_space<hbm>> -> memref<640x32xf32, #tpu.memory_space<hbm>>
      %dma_start3A_626 = arith.constant 0 : i32
      %dma_start3A_627 = arith.constant 0 : i32
      %dma_start3A_628 = tpu.memref_slice %arg6[%dma_start3A_617, %dma_start3A_626, %dma_start3A_627] : memref<4x640x32xf32, #tpu.memory_space<vmem>> -> memref<1x640x32xf32, #tpu.memory_space<vmem>>
      %dma_start3A_629 = tpu.memref_squeeze %dma_start3A_628 : memref<1x640x32xf32, #tpu.memory_space<vmem>> -> memref<640x32xf32, #tpu.memory_space<vmem>>
      tpu.enqueue_dma source(%dma_start3A_629 : memref<640x32xf32, #tpu.memory_space<vmem>>) target(%dma_start3A_625 : memref<640x32xf32, #tpu.memory_space<hbm>>) target_semaphore(%arg14 : memref<!tpu.dma_semaphore, #tpu.memory_space<semaphore_mem>>)
      %lt3A = arith.constant 9 : i32
      %lt3A_630 = arith.cmpi slt, %scan3A_309, %lt3A : i32
      %convert_element_type3A = arith.extui %lt3A_630 : i1 to i32
      %cond3A = arith.constant 0 : i32
      %cond3A_631 = arith.cmpi ne, %convert_element_type3A, %cond3A : i32
      scf.if %cond3A_631 {
        %dma_wait3A_632 = arith.constant 0 : i32
        %dma_wait3A_633 = arith.constant 0 : i32
        %dma_wait3A_634 = arith.constant 0 : i32
        %dma_wait3A_635 = tpu.memref_slice %arg6[%dma_wait3A_632, %dma_wait3A_633, %dma_wait3A_634] : memref<4x640x32xf32, #tpu.memory_space<vmem>> -> memref<1x640x32xf32, #tpu.memory_space<vmem>>
        %dma_wait3A_636 = tpu.memref_squeeze %dma_wait3A_635 : memref<1x640x32xf32, #tpu.memory_space<vmem>> -> memref<640x32xf32, #tpu.memory_space<vmem>>
        %dma_wait3A_637 = arith.constant 0 : i32
        %dma_wait3A_638 = tpu.memref_slice %arg4[%mul3A_2, %dma_wait3A_637] : memref<819200x32xf32, #tpu.memory_space<hbm>> -> memref<640x32xf32, #tpu.memory_space<hbm>>
        %dma_wait3A_639 = arith.constant 0 : i32
        %dma_wait3A_640 = tpu.memref_slice %arg4[%mul3A_2, %dma_wait3A_639] : memref<819200x32xf32, #tpu.memory_space<hbm>> -> memref<640x32xf32, #tpu.memory_space<hbm>>
        %dma_wait3A_641 = arith.constant 0 : i32
        %dma_wait3A_642 = arith.constant 0 : i32
        %dma_wait3A_643 = tpu.memref_slice %arg6[%dma_wait3A_632, %dma_wait3A_641, %dma_wait3A_642] : memref<4x640x32xf32, #tpu.memory_space<vmem>> -> memref<1x640x32xf32, #tpu.memory_space<vmem>>
        %dma_wait3A_644 = tpu.memref_squeeze %dma_wait3A_643 : memref<1x640x32xf32, #tpu.memory_space<vmem>> -> memref<640x32xf32, #tpu.memory_space<vmem>>
        tpu.wait_dma2 semaphore(%arg11 : memref<!tpu.dma_semaphore, #tpu.memory_space<semaphore_mem>>) src(%dma_wait3A_644 : memref<640x32xf32, #tpu.memory_space<vmem>>) dst(%dma_wait3A_640 : memref<640x32xf32, #tpu.memory_space<hbm>>)
        %add3A_645 = arith.constant 1 : i32
        %add3A_646 = arith.addi %scan3A_309, %add3A_645 : i32
        %mul3A_647 = arith.constant 4 : i32
        %mul3A_648 = arith.muli %add3A_646, %mul3A_647 : i32
        %add3A_649 = arith.constant 0 : i32
        %add3A_650 = arith.addi %mul3A_648, %add3A_649 : i32
        %mul3A_651 = arith.constant 640 : i32
        %mul3A_652 = arith.muli %add3A_650, %mul3A_651 : i32
        %add3A_653 = arith.addi %mul3A_2, %mul3A_652 : i32
        %run_scoped3A_654 = arith.constant 0 : i32
        "tpu.region"() ({
          %run_scoped3A_964 = tpu.sem_alloc : memref<!tpu.dma_semaphore, #tpu.memory_space<semaphore_mem>>
          %dma_start3A_965 = arith.constant 0 : i32
          %dma_start3A_966 = tpu.memref_slice %arg5[%run_scoped3A_654, %dma_start3A_965] : memref<4x640xi32, #tpu.memory_space<vmem>> -> memref<1x640xi32, #tpu.memory_space<vmem>>
          %dma_start3A_967 = tpu.memref_squeeze %dma_start3A_966 : memref<1x640xi32, #tpu.memory_space<vmem>> -> memref<640xi32, #tpu.memory_space<vmem>>
          %dma_start3A_968 = tpu.memref_slice %arg2[%add3A_653] : memref<819200xi32, #tpu.memory_space<hbm>> -> memref<640xi32, #tpu.memory_space<hbm>>
          %dma_start3A_969 = arith.constant 0 : i32
          %dma_start3A_970 = tpu.memref_slice %arg5[%run_scoped3A_654, %dma_start3A_969] : memref<4x640xi32, #tpu.memory_space<vmem>> -> memref<1x640xi32, #tpu.memory_space<vmem>>
          %dma_start3A_971 = tpu.memref_squeeze %dma_start3A_970 : memref<1x640xi32, #tpu.memory_space<vmem>> -> memref<640xi32, #tpu.memory_space<vmem>>
          %dma_start3A_972 = tpu.memref_slice %arg2[%add3A_653] : memref<819200xi32, #tpu.memory_space<hbm>> -> memref<640xi32, #tpu.memory_space<hbm>>
          tpu.enqueue_dma source(%dma_start3A_972 : memref<640xi32, #tpu.memory_space<hbm>>) target(%dma_start3A_971 : memref<640xi32, #tpu.memory_space<vmem>>) target_semaphore(%run_scoped3A_964 : memref<!tpu.dma_semaphore, #tpu.memory_space<semaphore_mem>>)
          %dma_wait3A_973 = arith.constant 0 : i32
          %dma_wait3A_974 = tpu.memref_slice %arg5[%run_scoped3A_654, %dma_wait3A_973] : memref<4x640xi32, #tpu.memory_space<vmem>> -> memref<1x640xi32, #tpu.memory_space<vmem>>
          %dma_wait3A_975 = tpu.memref_squeeze %dma_wait3A_974 : memref<1x640xi32, #tpu.memory_space<vmem>> -> memref<640xi32, #tpu.memory_space<vmem>>
          %dma_wait3A_976 = tpu.memref_slice %arg2[%add3A_653] : memref<819200xi32, #tpu.memory_space<hbm>> -> memref<640xi32, #tpu.memory_space<hbm>>
          %dma_wait3A_977 = arith.constant 0 : i32
          %dma_wait3A_978 = tpu.memref_slice %arg5[%run_scoped3A_654, %dma_wait3A_977] : memref<4x640xi32, #tpu.memory_space<vmem>> -> memref<1x640xi32, #tpu.memory_space<vmem>>
          %dma_wait3A_979 = tpu.memref_squeeze %dma_wait3A_978 : memref<1x640xi32, #tpu.memory_space<vmem>> -> memref<640xi32, #tpu.memory_space<vmem>>
          %dma_wait3A_980 = tpu.memref_slice %arg2[%add3A_653] : memref<819200xi32, #tpu.memory_space<hbm>> -> memref<640xi32, #tpu.memory_space<hbm>>
          tpu.wait_dma2 semaphore(%run_scoped3A_964 : memref<!tpu.dma_semaphore, #tpu.memory_space<semaphore_mem>>) src(%dma_wait3A_980 : memref<640xi32, #tpu.memory_space<hbm>>) dst(%dma_wait3A_979 : memref<640xi32, #tpu.memory_space<vmem>>)
          tpu.yield
        }) : () -> ()
        %dma_start3A_655 = arith.constant 0 : i32
        %dma_start3A_656 = arith.constant 0 : i32
        %dma_start3A_657 = arith.constant 0 : i32
        %dma_start3A_658 = arith.constant 0 : i32
        %dma_start3A_659 = tpu.memref_slice %arg6[%dma_start3A_656, %dma_start3A_657, %dma_start3A_658] : memref<4x640x32xf32, #tpu.memory_space<vmem>> -> memref<1x128x32xf32, #tpu.memory_space<vmem>>
        %dma_start3A_660 = tpu.memref_squeeze %dma_start3A_659 : memref<1x128x32xf32, #tpu.memory_space<vmem>> -> memref<128x32xf32, #tpu.memory_space<vmem>>
        %dma_start3A_661 = arith.constant 0 : i32
        %dma_start3A_662 = tpu.memref_slice %arg5[%dma_start3A_655, %dma_start3A_661] : memref<4x640xi32, #tpu.memory_space<vmem>> -> memref<1x128xi32, #tpu.memory_space<vmem>>
        %dma_start3A_663 = tpu.memref_squeeze %dma_start3A_662 : memref<1x128xi32, #tpu.memory_space<vmem>> -> memref<128xi32, #tpu.memory_space<vmem>>
        %dma_start3A_664 = arith.constant 0 : i32
        %dma_start3A_665 = arith.constant 0 : i32
        %dma_start3A_666 = tpu.memref_slice %arg3[%dma_start3A_664, %dma_start3A_665] : memref<1000000x32xf32, #tpu.memory_space<hbm>> -> memref<1000000x32xf32, #tpu.memory_space<hbm>>
        tpu.enqueue_indirect_dma source(%dma_start3A_666 : memref<1000000x32xf32, #tpu.memory_space<hbm>>) target(%dma_start3A_660 : memref<128x32xf32, #tpu.memory_space<vmem>>) offsets(%dma_start3A_663 : memref<128xi32, #tpu.memory_space<vmem>>) semaphore(%arg7 : memref<!tpu.dma_semaphore, #tpu.memory_space<semaphore_mem>>)
        %dma_start3A_667 = arith.constant 0 : i32
        %dma_start3A_668 = arith.constant 0 : i32
        %dma_start3A_669 = arith.constant 128 : i32
        %dma_start3A_670 = arith.constant 0 : i32
        %dma_start3A_671 = tpu.memref_slice %arg6[%dma_start3A_668, %dma_start3A_669, %dma_start3A_670] : memref<4x640x32xf32, #tpu.memory_space<vmem>> -> memref<1x128x32xf32, #tpu.memory_space<vmem>>
        %dma_start3A_672 = tpu.memref_squeeze %dma_start3A_671 : memref<1x128x32xf32, #tpu.memory_space<vmem>> -> memref<128x32xf32, #tpu.memory_space<vmem>>
        %dma_start3A_673 = arith.constant 128 : i32
        %dma_start3A_674 = tpu.memref_slice %arg5[%dma_start3A_667, %dma_start3A_673] : memref<4x640xi32, #tpu.memory_space<vmem>> -> memref<1x128xi32, #tpu.memory_space<vmem>>
        %dma_start3A_675 = tpu.memref_squeeze %dma_start3A_674 : memref<1x128xi32, #tpu.memory_space<vmem>> -> memref<128xi32, #tpu.memory_space<vmem>>
        %dma_start3A_676 = arith.constant 0 : i32
        %dma_start3A_677 = arith.constant 0 : i32
        %dma_start3A_678 = tpu.memref_slice %arg3[%dma_start3A_676, %dma_start3A_677] : memref<1000000x32xf32, #tpu.memory_space<hbm>> -> memref<1000000x32xf32, #tpu.memory_space<hbm>>
        tpu.enqueue_indirect_dma source(%dma_start3A_678 : memref<1000000x32xf32, #tpu.memory_space<hbm>>) target(%dma_start3A_672 : memref<128x32xf32, #tpu.memory_space<vmem>>) offsets(%dma_start3A_675 : memref<128xi32, #tpu.memory_space<vmem>>) semaphore(%arg7 : memref<!tpu.dma_semaphore, #tpu.memory_space<semaphore_mem>>)
        %dma_start3A_679 = arith.constant 0 : i32
        %dma_start3A_680 = arith.constant 0 : i32
        %dma_start3A_681 = arith.constant 256 : i32
        %dma_start3A_682 = arith.constant 0 : i32
        %dma_start3A_683 = tpu.memref_slice %arg6[%dma_start3A_680, %dma_start3A_681, %dma_start3A_682] : memref<4x640x32xf32, #tpu.memory_space<vmem>> -> memref<1x128x32xf32, #tpu.memory_space<vmem>>
        %dma_start3A_684 = tpu.memref_squeeze %dma_start3A_683 : memref<1x128x32xf32, #tpu.memory_space<vmem>> -> memref<128x32xf32, #tpu.memory_space<vmem>>
        %dma_start3A_685 = arith.constant 256 : i32
        %dma_start3A_686 = tpu.memref_slice %arg5[%dma_start3A_679, %dma_start3A_685] : memref<4x640xi32, #tpu.memory_space<vmem>> -> memref<1x128xi32, #tpu.memory_space<vmem>>
        %dma_start3A_687 = tpu.memref_squeeze %dma_start3A_686 : memref<1x128xi32, #tpu.memory_space<vmem>> -> memref<128xi32, #tpu.memory_space<vmem>>
        %dma_start3A_688 = arith.constant 0 : i32
        %dma_start3A_689 = arith.constant 0 : i32
        %dma_start3A_690 = tpu.memref_slice %arg3[%dma_start3A_688, %dma_start3A_689] : memref<1000000x32xf32, #tpu.memory_space<hbm>> -> memref<1000000x32xf32, #tpu.memory_space<hbm>>
        tpu.enqueue_indirect_dma source(%dma_start3A_690 : memref<1000000x32xf32, #tpu.memory_space<hbm>>) target(%dma_start3A_684 : memref<128x32xf32, #tpu.memory_space<vmem>>) offsets(%dma_start3A_687 : memref<128xi32, #tpu.memory_space<vmem>>) semaphore(%arg7 : memref<!tpu.dma_semaphore, #tpu.memory_space<semaphore_mem>>)
        %dma_start3A_691 = arith.constant 0 : i32
        %dma_start3A_692 = arith.constant 0 : i32
        %dma_start3A_693 = arith.constant 384 : i32
        %dma_start3A_694 = arith.constant 0 : i32
        %dma_start3A_695 = tpu.memref_slice %arg6[%dma_start3A_692, %dma_start3A_693, %dma_start3A_694] : memref<4x640x32xf32, #tpu.memory_space<vmem>> -> memref<1x128x32xf32, #tpu.memory_space<vmem>>
        %dma_start3A_696 = tpu.memref_squeeze %dma_start3A_695 : memref<1x128x32xf32, #tpu.memory_space<vmem>> -> memref<128x32xf32, #tpu.memory_space<vmem>>
        %dma_start3A_697 = arith.constant 384 : i32
        %dma_start3A_698 = tpu.memref_slice %arg5[%dma_start3A_691, %dma_start3A_697] : memref<4x640xi32, #tpu.memory_space<vmem>> -> memref<1x128xi32, #tpu.memory_space<vmem>>
        %dma_start3A_699 = tpu.memref_squeeze %dma_start3A_698 : memref<1x128xi32, #tpu.memory_space<vmem>> -> memref<128xi32, #tpu.memory_space<vmem>>
        %dma_start3A_700 = arith.constant 0 : i32
        %dma_start3A_701 = arith.constant 0 : i32
        %dma_start3A_702 = tpu.memref_slice %arg3[%dma_start3A_700, %dma_start3A_701] : memref<1000000x32xf32, #tpu.memory_space<hbm>> -> memref<1000000x32xf32, #tpu.memory_space<hbm>>
        tpu.enqueue_indirect_dma source(%dma_start3A_702 : memref<1000000x32xf32, #tpu.memory_space<hbm>>) target(%dma_start3A_696 : memref<128x32xf32, #tpu.memory_space<vmem>>) offsets(%dma_start3A_699 : memref<128xi32, #tpu.memory_space<vmem>>) semaphore(%arg7 : memref<!tpu.dma_semaphore, #tpu.memory_space<semaphore_mem>>)
        %dma_start3A_703 = arith.constant 0 : i32
        %dma_start3A_704 = arith.constant 0 : i32
        %dma_start3A_705 = arith.constant 512 : i32
        %dma_start3A_706 = arith.constant 0 : i32
        %dma_start3A_707 = tpu.memref_slice %arg6[%dma_start3A_704, %dma_start3A_705, %dma_start3A_706] : memref<4x640x32xf32, #tpu.memory_space<vmem>> -> memref<1x128x32xf32, #tpu.memory_space<vmem>>
        %dma_start3A_708 = tpu.memref_squeeze %dma_start3A_707 : memref<1x128x32xf32, #tpu.memory_space<vmem>> -> memref<128x32xf32, #tpu.memory_space<vmem>>
        %dma_start3A_709 = arith.constant 512 : i32
        %dma_start3A_710 = tpu.memref_slice %arg5[%dma_start3A_703, %dma_start3A_709] : memref<4x640xi32, #tpu.memory_space<vmem>> -> memref<1x128xi32, #tpu.memory_space<vmem>>
        %dma_start3A_711 = tpu.memref_squeeze %dma_start3A_710 : memref<1x128xi32, #tpu.memory_space<vmem>> -> memref<128xi32, #tpu.memory_space<vmem>>
        %dma_start3A_712 = arith.constant 0 : i32
        %dma_start3A_713 = arith.constant 0 : i32
        %dma_start3A_714 = tpu.memref_slice %arg3[%dma_start3A_712, %dma_start3A_713] : memref<1000000x32xf32, #tpu.memory_space<hbm>> -> memref<1000000x32xf32, #tpu.memory_space<hbm>>
        tpu.enqueue_indirect_dma source(%dma_start3A_714 : memref<1000000x32xf32, #tpu.memory_space<hbm>>) target(%dma_start3A_708 : memref<128x32xf32, #tpu.memory_space<vmem>>) offsets(%dma_start3A_711 : memref<128xi32, #tpu.memory_space<vmem>>) semaphore(%arg7 : memref<!tpu.dma_semaphore, #tpu.memory_space<semaphore_mem>>)
        %dma_wait3A_715 = arith.constant 1 : i32
        %dma_wait3A_716 = arith.constant 0 : i32
        %dma_wait3A_717 = arith.constant 0 : i32
        %dma_wait3A_718 = tpu.memref_slice %arg6[%dma_wait3A_715, %dma_wait3A_716, %dma_wait3A_717] : memref<4x640x32xf32, #tpu.memory_space<vmem>> -> memref<1x640x32xf32, #tpu.memory_space<vmem>>
        %dma_wait3A_719 = tpu.memref_squeeze %dma_wait3A_718 : memref<1x640x32xf32, #tpu.memory_space<vmem>> -> memref<640x32xf32, #tpu.memory_space<vmem>>
        %dma_wait3A_720 = arith.constant 0 : i32
        %dma_wait3A_721 = tpu.memref_slice %arg4[%mul3A_2, %dma_wait3A_720] : memref<819200x32xf32, #tpu.memory_space<hbm>> -> memref<640x32xf32, #tpu.memory_space<hbm>>
        %dma_wait3A_722 = arith.constant 0 : i32
        %dma_wait3A_723 = tpu.memref_slice %arg4[%mul3A_2, %dma_wait3A_722] : memref<819200x32xf32, #tpu.memory_space<hbm>> -> memref<640x32xf32, #tpu.memory_space<hbm>>
        %dma_wait3A_724 = arith.constant 0 : i32
        %dma_wait3A_725 = arith.constant 0 : i32
        %dma_wait3A_726 = tpu.memref_slice %arg6[%dma_wait3A_715, %dma_wait3A_724, %dma_wait3A_725] : memref<4x640x32xf32, #tpu.memory_space<vmem>> -> memref<1x640x32xf32, #tpu.memory_space<vmem>>
        %dma_wait3A_727 = tpu.memref_squeeze %dma_wait3A_726 : memref<1x640x32xf32, #tpu.memory_space<vmem>> -> memref<640x32xf32, #tpu.memory_space<vmem>>
        tpu.wait_dma2 semaphore(%arg12 : memref<!tpu.dma_semaphore, #tpu.memory_space<semaphore_mem>>) src(%dma_wait3A_727 : memref<640x32xf32, #tpu.memory_space<vmem>>) dst(%dma_wait3A_723 : memref<640x32xf32, #tpu.memory_space<hbm>>)
        %add3A_728 = arith.constant 1 : i32
        %add3A_729 = arith.addi %scan3A_309, %add3A_728 : i32
        %mul3A_730 = arith.constant 4 : i32
        %mul3A_731 = arith.muli %add3A_729, %mul3A_730 : i32
        %add3A_732 = arith.constant 1 : i32
        %add3A_733 = arith.addi %mul3A_731, %add3A_732 : i32
        %mul3A_734 = arith.constant 640 : i32
        %mul3A_735 = arith.muli %add3A_733, %mul3A_734 : i32
        %add3A_736 = arith.addi %mul3A_2, %mul3A_735 : i32
        %run_scoped3A_737 = arith.constant 1 : i32
        "tpu.region"() ({
          %run_scoped3A_964 = tpu.sem_alloc : memref<!tpu.dma_semaphore, #tpu.memory_space<semaphore_mem>>
          %dma_start3A_965 = arith.constant 0 : i32
          %dma_start3A_966 = tpu.memref_slice %arg5[%run_scoped3A_737, %dma_start3A_965] : memref<4x640xi32, #tpu.memory_space<vmem>> -> memref<1x640xi32, #tpu.memory_space<vmem>>
          %dma_start3A_967 = tpu.memref_squeeze %dma_start3A_966 : memref<1x640xi32, #tpu.memory_space<vmem>> -> memref<640xi32, #tpu.memory_space<vmem>>
          %dma_start3A_968 = tpu.memref_slice %arg2[%add3A_736] : memref<819200xi32, #tpu.memory_space<hbm>> -> memref<640xi32, #tpu.memory_space<hbm>>
          %dma_start3A_969 = arith.constant 0 : i32
          %dma_start3A_970 = tpu.memref_slice %arg5[%run_scoped3A_737, %dma_start3A_969] : memref<4x640xi32, #tpu.memory_space<vmem>> -> memref<1x640xi32, #tpu.memory_space<vmem>>
          %dma_start3A_971 = tpu.memref_squeeze %dma_start3A_970 : memref<1x640xi32, #tpu.memory_space<vmem>> -> memref<640xi32, #tpu.memory_space<vmem>>
          %dma_start3A_972 = tpu.memref_slice %arg2[%add3A_736] : memref<819200xi32, #tpu.memory_space<hbm>> -> memref<640xi32, #tpu.memory_space<hbm>>
          tpu.enqueue_dma source(%dma_start3A_972 : memref<640xi32, #tpu.memory_space<hbm>>) target(%dma_start3A_971 : memref<640xi32, #tpu.memory_space<vmem>>) target_semaphore(%run_scoped3A_964 : memref<!tpu.dma_semaphore, #tpu.memory_space<semaphore_mem>>)
          %dma_wait3A_973 = arith.constant 0 : i32
          %dma_wait3A_974 = tpu.memref_slice %arg5[%run_scoped3A_737, %dma_wait3A_973] : memref<4x640xi32, #tpu.memory_space<vmem>> -> memref<1x640xi32, #tpu.memory_space<vmem>>
          %dma_wait3A_975 = tpu.memref_squeeze %dma_wait3A_974 : memref<1x640xi32, #tpu.memory_space<vmem>> -> memref<640xi32, #tpu.memory_space<vmem>>
          %dma_wait3A_976 = tpu.memref_slice %arg2[%add3A_736] : memref<819200xi32, #tpu.memory_space<hbm>> -> memref<640xi32, #tpu.memory_space<hbm>>
          %dma_wait3A_977 = arith.constant 0 : i32
          %dma_wait3A_978 = tpu.memref_slice %arg5[%run_scoped3A_737, %dma_wait3A_977] : memref<4x640xi32, #tpu.memory_space<vmem>> -> memref<1x640xi32, #tpu.memory_space<vmem>>
          %dma_wait3A_979 = tpu.memref_squeeze %dma_wait3A_978 : memref<1x640xi32, #tpu.memory_space<vmem>> -> memref<640xi32, #tpu.memory_space<vmem>>
          %dma_wait3A_980 = tpu.memref_slice %arg2[%add3A_736] : memref<819200xi32, #tpu.memory_space<hbm>> -> memref<640xi32, #tpu.memory_space<hbm>>
          tpu.wait_dma2 semaphore(%run_scoped3A_964 : memref<!tpu.dma_semaphore, #tpu.memory_space<semaphore_mem>>) src(%dma_wait3A_980 : memref<640xi32, #tpu.memory_space<hbm>>) dst(%dma_wait3A_979 : memref<640xi32, #tpu.memory_space<vmem>>)
          tpu.yield
        }) : () -> ()
        %dma_start3A_738 = arith.constant 1 : i32
        %dma_start3A_739 = arith.constant 1 : i32
        %dma_start3A_740 = arith.constant 0 : i32
        %dma_start3A_741 = arith.constant 0 : i32
        %dma_start3A_742 = tpu.memref_slice %arg6[%dma_start3A_739, %dma_start3A_740, %dma_start3A_741] : memref<4x640x32xf32, #tpu.memory_space<vmem>> -> memref<1x128x32xf32, #tpu.memory_space<vmem>>
        %dma_start3A_743 = tpu.memref_squeeze %dma_start3A_742 : memref<1x128x32xf32, #tpu.memory_space<vmem>> -> memref<128x32xf32, #tpu.memory_space<vmem>>
        %dma_start3A_744 = arith.constant 0 : i32
        %dma_start3A_745 = tpu.memref_slice %arg5[%dma_start3A_738, %dma_start3A_744] : memref<4x640xi32, #tpu.memory_space<vmem>> -> memref<1x128xi32, #tpu.memory_space<vmem>>
        %dma_start3A_746 = tpu.memref_squeeze %dma_start3A_745 : memref<1x128xi32, #tpu.memory_space<vmem>> -> memref<128xi32, #tpu.memory_space<vmem>>
        %dma_start3A_747 = arith.constant 0 : i32
        %dma_start3A_748 = arith.constant 0 : i32
        %dma_start3A_749 = tpu.memref_slice %arg3[%dma_start3A_747, %dma_start3A_748] : memref<1000000x32xf32, #tpu.memory_space<hbm>> -> memref<1000000x32xf32, #tpu.memory_space<hbm>>
        tpu.enqueue_indirect_dma source(%dma_start3A_749 : memref<1000000x32xf32, #tpu.memory_space<hbm>>) target(%dma_start3A_743 : memref<128x32xf32, #tpu.memory_space<vmem>>) offsets(%dma_start3A_746 : memref<128xi32, #tpu.memory_space<vmem>>) semaphore(%arg8 : memref<!tpu.dma_semaphore, #tpu.memory_space<semaphore_mem>>)
        %dma_start3A_750 = arith.constant 1 : i32
        %dma_start3A_751 = arith.constant 1 : i32
        %dma_start3A_752 = arith.constant 128 : i32
        %dma_start3A_753 = arith.constant 0 : i32
        %dma_start3A_754 = tpu.memref_slice %arg6[%dma_start3A_751, %dma_start3A_752, %dma_start3A_753] : memref<4x640x32xf32, #tpu.memory_space<vmem>> -> memref<1x128x32xf32, #tpu.memory_space<vmem>>
        %dma_start3A_755 = tpu.memref_squeeze %dma_start3A_754 : memref<1x128x32xf32, #tpu.memory_space<vmem>> -> memref<128x32xf32, #tpu.memory_space<vmem>>
        %dma_start3A_756 = arith.constant 128 : i32
        %dma_start3A_757 = tpu.memref_slice %arg5[%dma_start3A_750, %dma_start3A_756] : memref<4x640xi32, #tpu.memory_space<vmem>> -> memref<1x128xi32, #tpu.memory_space<vmem>>
        %dma_start3A_758 = tpu.memref_squeeze %dma_start3A_757 : memref<1x128xi32, #tpu.memory_space<vmem>> -> memref<128xi32, #tpu.memory_space<vmem>>
        %dma_start3A_759 = arith.constant 0 : i32
        %dma_start3A_760 = arith.constant 0 : i32
        %dma_start3A_761 = tpu.memref_slice %arg3[%dma_start3A_759, %dma_start3A_760] : memref<1000000x32xf32, #tpu.memory_space<hbm>> -> memref<1000000x32xf32, #tpu.memory_space<hbm>>
        tpu.enqueue_indirect_dma source(%dma_start3A_761 : memref<1000000x32xf32, #tpu.memory_space<hbm>>) target(%dma_start3A_755 : memref<128x32xf32, #tpu.memory_space<vmem>>) offsets(%dma_start3A_758 : memref<128xi32, #tpu.memory_space<vmem>>) semaphore(%arg8 : memref<!tpu.dma_semaphore, #tpu.memory_space<semaphore_mem>>)
        %dma_start3A_762 = arith.constant 1 : i32
        %dma_start3A_763 = arith.constant 1 : i32
        %dma_start3A_764 = arith.constant 256 : i32
        %dma_start3A_765 = arith.constant 0 : i32
        %dma_start3A_766 = tpu.memref_slice %arg6[%dma_start3A_763, %dma_start3A_764, %dma_start3A_765] : memref<4x640x32xf32, #tpu.memory_space<vmem>> -> memref<1x128x32xf32, #tpu.memory_space<vmem>>
        %dma_start3A_767 = tpu.memref_squeeze %dma_start3A_766 : memref<1x128x32xf32, #tpu.memory_space<vmem>> -> memref<128x32xf32, #tpu.memory_space<vmem>>
        %dma_start3A_768 = arith.constant 256 : i32
        %dma_start3A_769 = tpu.memref_slice %arg5[%dma_start3A_762, %dma_start3A_768] : memref<4x640xi32, #tpu.memory_space<vmem>> -> memref<1x128xi32, #tpu.memory_space<vmem>>
        %dma_start3A_770 = tpu.memref_squeeze %dma_start3A_769 : memref<1x128xi32, #tpu.memory_space<vmem>> -> memref<128xi32, #tpu.memory_space<vmem>>
        %dma_start3A_771 = arith.constant 0 : i32
        %dma_start3A_772 = arith.constant 0 : i32
        %dma_start3A_773 = tpu.memref_slice %arg3[%dma_start3A_771, %dma_start3A_772] : memref<1000000x32xf32, #tpu.memory_space<hbm>> -> memref<1000000x32xf32, #tpu.memory_space<hbm>>
        tpu.enqueue_indirect_dma source(%dma_start3A_773 : memref<1000000x32xf32, #tpu.memory_space<hbm>>) target(%dma_start3A_767 : memref<128x32xf32, #tpu.memory_space<vmem>>) offsets(%dma_start3A_770 : memref<128xi32, #tpu.memory_space<vmem>>) semaphore(%arg8 : memref<!tpu.dma_semaphore, #tpu.memory_space<semaphore_mem>>)
        %dma_start3A_774 = arith.constant 1 : i32
        %dma_start3A_775 = arith.constant 1 : i32
        %dma_start3A_776 = arith.constant 384 : i32
        %dma_start3A_777 = arith.constant 0 : i32
        %dma_start3A_778 = tpu.memref_slice %arg6[%dma_start3A_775, %dma_start3A_776, %dma_start3A_777] : memref<4x640x32xf32, #tpu.memory_space<vmem>> -> memref<1x128x32xf32, #tpu.memory_space<vmem>>
        %dma_start3A_779 = tpu.memref_squeeze %dma_start3A_778 : memref<1x128x32xf32, #tpu.memory_space<vmem>> -> memref<128x32xf32, #tpu.memory_space<vmem>>
        %dma_start3A_780 = arith.constant 384 : i32
        %dma_start3A_781 = tpu.memref_slice %arg5[%dma_start3A_774, %dma_start3A_780] : memref<4x640xi32, #tpu.memory_space<vmem>> -> memref<1x128xi32, #tpu.memory_space<vmem>>
        %dma_start3A_782 = tpu.memref_squeeze %dma_start3A_781 : memref<1x128xi32, #tpu.memory_space<vmem>> -> memref<128xi32, #tpu.memory_space<vmem>>
        %dma_start3A_783 = arith.constant 0 : i32
        %dma_start3A_784 = arith.constant 0 : i32
        %dma_start3A_785 = tpu.memref_slice %arg3[%dma_start3A_783, %dma_start3A_784] : memref<1000000x32xf32, #tpu.memory_space<hbm>> -> memref<1000000x32xf32, #tpu.memory_space<hbm>>
        tpu.enqueue_indirect_dma source(%dma_start3A_785 : memref<1000000x32xf32, #tpu.memory_space<hbm>>) target(%dma_start3A_779 : memref<128x32xf32, #tpu.memory_space<vmem>>) offsets(%dma_start3A_782 : memref<128xi32, #tpu.memory_space<vmem>>) semaphore(%arg8 : memref<!tpu.dma_semaphore, #tpu.memory_space<semaphore_mem>>)
        %dma_start3A_786 = arith.constant 1 : i32
        %dma_start3A_787 = arith.constant 1 : i32
        %dma_start3A_788 = arith.constant 512 : i32
        %dma_start3A_789 = arith.constant 0 : i32
        %dma_start3A_790 = tpu.memref_slice %arg6[%dma_start3A_787, %dma_start3A_788, %dma_start3A_789] : memref<4x640x32xf32, #tpu.memory_space<vmem>> -> memref<1x128x32xf32, #tpu.memory_space<vmem>>
        %dma_start3A_791 = tpu.memref_squeeze %dma_start3A_790 : memref<1x128x32xf32, #tpu.memory_space<vmem>> -> memref<128x32xf32, #tpu.memory_space<vmem>>
        %dma_start3A_792 = arith.constant 512 : i32
        %dma_start3A_793 = tpu.memref_slice %arg5[%dma_start3A_786, %dma_start3A_792] : memref<4x640xi32, #tpu.memory_space<vmem>> -> memref<1x128xi32, #tpu.memory_space<vmem>>
        %dma_start3A_794 = tpu.memref_squeeze %dma_start3A_793 : memref<1x128xi32, #tpu.memory_space<vmem>> -> memref<128xi32, #tpu.memory_space<vmem>>
        %dma_start3A_795 = arith.constant 0 : i32
        %dma_start3A_796 = arith.constant 0 : i32
        %dma_start3A_797 = tpu.memref_slice %arg3[%dma_start3A_795, %dma_start3A_796] : memref<1000000x32xf32, #tpu.memory_space<hbm>> -> memref<1000000x32xf32, #tpu.memory_space<hbm>>
        tpu.enqueue_indirect_dma source(%dma_start3A_797 : memref<1000000x32xf32, #tpu.memory_space<hbm>>) target(%dma_start3A_791 : memref<128x32xf32, #tpu.memory_space<vmem>>) offsets(%dma_start3A_794 : memref<128xi32, #tpu.memory_space<vmem>>) semaphore(%arg8 : memref<!tpu.dma_semaphore, #tpu.memory_space<semaphore_mem>>)
        %dma_wait3A_798 = arith.constant 2 : i32
        %dma_wait3A_799 = arith.constant 0 : i32
        %dma_wait3A_800 = arith.constant 0 : i32
        %dma_wait3A_801 = tpu.memref_slice %arg6[%dma_wait3A_798, %dma_wait3A_799, %dma_wait3A_800] : memref<4x640x32xf32, #tpu.memory_space<vmem>> -> memref<1x640x32xf32, #tpu.memory_space<vmem>>
        %dma_wait3A_802 = tpu.memref_squeeze %dma_wait3A_801 : memref<1x640x32xf32, #tpu.memory_space<vmem>> -> memref<640x32xf32, #tpu.memory_space<vmem>>
        %dma_wait3A_803 = arith.constant 0 : i32
        %dma_wait3A_804 = tpu.memref_slice %arg4[%mul3A_2, %dma_wait3A_803] : memref<819200x32xf32, #tpu.memory_space<hbm>> -> memref<640x32xf32, #tpu.memory_space<hbm>>
        %dma_wait3A_805 = arith.constant 0 : i32
        %dma_wait3A_806 = tpu.memref_slice %arg4[%mul3A_2, %dma_wait3A_805] : memref<819200x32xf32, #tpu.memory_space<hbm>> -> memref<640x32xf32, #tpu.memory_space<hbm>>
        %dma_wait3A_807 = arith.constant 0 : i32
        %dma_wait3A_808 = arith.constant 0 : i32
        %dma_wait3A_809 = tpu.memref_slice %arg6[%dma_wait3A_798, %dma_wait3A_807, %dma_wait3A_808] : memref<4x640x32xf32, #tpu.memory_space<vmem>> -> memref<1x640x32xf32, #tpu.memory_space<vmem>>
        %dma_wait3A_810 = tpu.memref_squeeze %dma_wait3A_809 : memref<1x640x32xf32, #tpu.memory_space<vmem>> -> memref<640x32xf32, #tpu.memory_space<vmem>>
        tpu.wait_dma2 semaphore(%arg13 : memref<!tpu.dma_semaphore, #tpu.memory_space<semaphore_mem>>) src(%dma_wait3A_810 : memref<640x32xf32, #tpu.memory_space<vmem>>) dst(%dma_wait3A_806 : memref<640x32xf32, #tpu.memory_space<hbm>>)
        %add3A_811 = arith.constant 1 : i32
        %add3A_812 = arith.addi %scan3A_309, %add3A_811 : i32
        %mul3A_813 = arith.constant 4 : i32
        %mul3A_814 = arith.muli %add3A_812, %mul3A_813 : i32
        %add3A_815 = arith.constant 2 : i32
        %add3A_816 = arith.addi %mul3A_814, %add3A_815 : i32
        %mul3A_817 = arith.constant 640 : i32
        %mul3A_818 = arith.muli %add3A_816, %mul3A_817 : i32
        %add3A_819 = arith.addi %mul3A_2, %mul3A_818 : i32
        %run_scoped3A_820 = arith.constant 2 : i32
        "tpu.region"() ({
          %run_scoped3A_964 = tpu.sem_alloc : memref<!tpu.dma_semaphore, #tpu.memory_space<semaphore_mem>>
          %dma_start3A_965 = arith.constant 0 : i32
          %dma_start3A_966 = tpu.memref_slice %arg5[%run_scoped3A_820, %dma_start3A_965] : memref<4x640xi32, #tpu.memory_space<vmem>> -> memref<1x640xi32, #tpu.memory_space<vmem>>
          %dma_start3A_967 = tpu.memref_squeeze %dma_start3A_966 : memref<1x640xi32, #tpu.memory_space<vmem>> -> memref<640xi32, #tpu.memory_space<vmem>>
          %dma_start3A_968 = tpu.memref_slice %arg2[%add3A_819] : memref<819200xi32, #tpu.memory_space<hbm>> -> memref<640xi32, #tpu.memory_space<hbm>>
          %dma_start3A_969 = arith.constant 0 : i32
          %dma_start3A_970 = tpu.memref_slice %arg5[%run_scoped3A_820, %dma_start3A_969] : memref<4x640xi32, #tpu.memory_space<vmem>> -> memref<1x640xi32, #tpu.memory_space<vmem>>
          %dma_start3A_971 = tpu.memref_squeeze %dma_start3A_970 : memref<1x640xi32, #tpu.memory_space<vmem>> -> memref<640xi32, #tpu.memory_space<vmem>>
          %dma_start3A_972 = tpu.memref_slice %arg2[%add3A_819] : memref<819200xi32, #tpu.memory_space<hbm>> -> memref<640xi32, #tpu.memory_space<hbm>>
          tpu.enqueue_dma source(%dma_start3A_972 : memref<640xi32, #tpu.memory_space<hbm>>) target(%dma_start3A_971 : memref<640xi32, #tpu.memory_space<vmem>>) target_semaphore(%run_scoped3A_964 : memref<!tpu.dma_semaphore, #tpu.memory_space<semaphore_mem>>)
          %dma_wait3A_973 = arith.constant 0 : i32
          %dma_wait3A_974 = tpu.memref_slice %arg5[%run_scoped3A_820, %dma_wait3A_973] : memref<4x640xi32, #tpu.memory_space<vmem>> -> memref<1x640xi32, #tpu.memory_space<vmem>>
          %dma_wait3A_975 = tpu.memref_squeeze %dma_wait3A_974 : memref<1x640xi32, #tpu.memory_space<vmem>> -> memref<640xi32, #tpu.memory_space<vmem>>
          %dma_wait3A_976 = tpu.memref_slice %arg2[%add3A_819] : memref<819200xi32, #tpu.memory_space<hbm>> -> memref<640xi32, #tpu.memory_space<hbm>>
          %dma_wait3A_977 = arith.constant 0 : i32
          %dma_wait3A_978 = tpu.memref_slice %arg5[%run_scoped3A_820, %dma_wait3A_977] : memref<4x640xi32, #tpu.memory_space<vmem>> -> memref<1x640xi32, #tpu.memory_space<vmem>>
          %dma_wait3A_979 = tpu.memref_squeeze %dma_wait3A_978 : memref<1x640xi32, #tpu.memory_space<vmem>> -> memref<640xi32, #tpu.memory_space<vmem>>
          %dma_wait3A_980 = tpu.memref_slice %arg2[%add3A_819] : memref<819200xi32, #tpu.memory_space<hbm>> -> memref<640xi32, #tpu.memory_space<hbm>>
          tpu.wait_dma2 semaphore(%run_scoped3A_964 : memref<!tpu.dma_semaphore, #tpu.memory_space<semaphore_mem>>) src(%dma_wait3A_980 : memref<640xi32, #tpu.memory_space<hbm>>) dst(%dma_wait3A_979 : memref<640xi32, #tpu.memory_space<vmem>>)
          tpu.yield
        }) : () -> ()
        %dma_start3A_821 = arith.constant 2 : i32
        %dma_start3A_822 = arith.constant 2 : i32
        %dma_start3A_823 = arith.constant 0 : i32
        %dma_start3A_824 = arith.constant 0 : i32
        %dma_start3A_825 = tpu.memref_slice %arg6[%dma_start3A_822, %dma_start3A_823, %dma_start3A_824] : memref<4x640x32xf32, #tpu.memory_space<vmem>> -> memref<1x128x32xf32, #tpu.memory_space<vmem>>
        %dma_start3A_826 = tpu.memref_squeeze %dma_start3A_825 : memref<1x128x32xf32, #tpu.memory_space<vmem>> -> memref<128x32xf32, #tpu.memory_space<vmem>>
        %dma_start3A_827 = arith.constant 0 : i32
        %dma_start3A_828 = tpu.memref_slice %arg5[%dma_start3A_821, %dma_start3A_827] : memref<4x640xi32, #tpu.memory_space<vmem>> -> memref<1x128xi32, #tpu.memory_space<vmem>>
        %dma_start3A_829 = tpu.memref_squeeze %dma_start3A_828 : memref<1x128xi32, #tpu.memory_space<vmem>> -> memref<128xi32, #tpu.memory_space<vmem>>
        %dma_start3A_830 = arith.constant 0 : i32
        %dma_start3A_831 = arith.constant 0 : i32
        %dma_start3A_832 = tpu.memref_slice %arg3[%dma_start3A_830, %dma_start3A_831] : memref<1000000x32xf32, #tpu.memory_space<hbm>> -> memref<1000000x32xf32, #tpu.memory_space<hbm>>
        tpu.enqueue_indirect_dma source(%dma_start3A_832 : memref<1000000x32xf32, #tpu.memory_space<hbm>>) target(%dma_start3A_826 : memref<128x32xf32, #tpu.memory_space<vmem>>) offsets(%dma_start3A_829 : memref<128xi32, #tpu.memory_space<vmem>>) semaphore(%arg9 : memref<!tpu.dma_semaphore, #tpu.memory_space<semaphore_mem>>)
        %dma_start3A_833 = arith.constant 2 : i32
        %dma_start3A_834 = arith.constant 2 : i32
        %dma_start3A_835 = arith.constant 128 : i32
        %dma_start3A_836 = arith.constant 0 : i32
        %dma_start3A_837 = tpu.memref_slice %arg6[%dma_start3A_834, %dma_start3A_835, %dma_start3A_836] : memref<4x640x32xf32, #tpu.memory_space<vmem>> -> memref<1x128x32xf32, #tpu.memory_space<vmem>>
        %dma_start3A_838 = tpu.memref_squeeze %dma_start3A_837 : memref<1x128x32xf32, #tpu.memory_space<vmem>> -> memref<128x32xf32, #tpu.memory_space<vmem>>
        %dma_start3A_839 = arith.constant 128 : i32
        %dma_start3A_840 = tpu.memref_slice %arg5[%dma_start3A_833, %dma_start3A_839] : memref<4x640xi32, #tpu.memory_space<vmem>> -> memref<1x128xi32, #tpu.memory_space<vmem>>
        %dma_start3A_841 = tpu.memref_squeeze %dma_start3A_840 : memref<1x128xi32, #tpu.memory_space<vmem>> -> memref<128xi32, #tpu.memory_space<vmem>>
        %dma_start3A_842 = arith.constant 0 : i32
        %dma_start3A_843 = arith.constant 0 : i32
        %dma_start3A_844 = tpu.memref_slice %arg3[%dma_start3A_842, %dma_start3A_843] : memref<1000000x32xf32, #tpu.memory_space<hbm>> -> memref<1000000x32xf32, #tpu.memory_space<hbm>>
        tpu.enqueue_indirect_dma source(%dma_start3A_844 : memref<1000000x32xf32, #tpu.memory_space<hbm>>) target(%dma_start3A_838 : memref<128x32xf32, #tpu.memory_space<vmem>>) offsets(%dma_start3A_841 : memref<128xi32, #tpu.memory_space<vmem>>) semaphore(%arg9 : memref<!tpu.dma_semaphore, #tpu.memory_space<semaphore_mem>>)
        %dma_start3A_845 = arith.constant 2 : i32
        %dma_start3A_846 = arith.constant 2 : i32
        %dma_start3A_847 = arith.constant 256 : i32
        %dma_start3A_848 = arith.constant 0 : i32
        %dma_start3A_849 = tpu.memref_slice %arg6[%dma_start3A_846, %dma_start3A_847, %dma_start3A_848] : memref<4x640x32xf32, #tpu.memory_space<vmem>> -> memref<1x128x32xf32, #tpu.memory_space<vmem>>
        %dma_start3A_850 = tpu.memref_squeeze %dma_start3A_849 : memref<1x128x32xf32, #tpu.memory_space<vmem>> -> memref<128x32xf32, #tpu.memory_space<vmem>>
        %dma_start3A_851 = arith.constant 256 : i32
        %dma_start3A_852 = tpu.memref_slice %arg5[%dma_start3A_845, %dma_start3A_851] : memref<4x640xi32, #tpu.memory_space<vmem>> -> memref<1x128xi32, #tpu.memory_space<vmem>>
        %dma_start3A_853 = tpu.memref_squeeze %dma_start3A_852 : memref<1x128xi32, #tpu.memory_space<vmem>> -> memref<128xi32, #tpu.memory_space<vmem>>
        %dma_start3A_854 = arith.constant 0 : i32
        %dma_start3A_855 = arith.constant 0 : i32
        %dma_start3A_856 = tpu.memref_slice %arg3[%dma_start3A_854, %dma_start3A_855] : memref<1000000x32xf32, #tpu.memory_space<hbm>> -> memref<1000000x32xf32, #tpu.memory_space<hbm>>
        tpu.enqueue_indirect_dma source(%dma_start3A_856 : memref<1000000x32xf32, #tpu.memory_space<hbm>>) target(%dma_start3A_850 : memref<128x32xf32, #tpu.memory_space<vmem>>) offsets(%dma_start3A_853 : memref<128xi32, #tpu.memory_space<vmem>>) semaphore(%arg9 : memref<!tpu.dma_semaphore, #tpu.memory_space<semaphore_mem>>)
        %dma_start3A_857 = arith.constant 2 : i32
        %dma_start3A_858 = arith.constant 2 : i32
        %dma_start3A_859 = arith.constant 384 : i32
        %dma_start3A_860 = arith.constant 0 : i32
        %dma_start3A_861 = tpu.memref_slice %arg6[%dma_start3A_858, %dma_start3A_859, %dma_start3A_860] : memref<4x640x32xf32, #tpu.memory_space<vmem>> -> memref<1x128x32xf32, #tpu.memory_space<vmem>>
        %dma_start3A_862 = tpu.memref_squeeze %dma_start3A_861 : memref<1x128x32xf32, #tpu.memory_space<vmem>> -> memref<128x32xf32, #tpu.memory_space<vmem>>
        %dma_start3A_863 = arith.constant 384 : i32
        %dma_start3A_864 = tpu.memref_slice %arg5[%dma_start3A_857, %dma_start3A_863] : memref<4x640xi32, #tpu.memory_space<vmem>> -> memref<1x128xi32, #tpu.memory_space<vmem>>
        %dma_start3A_865 = tpu.memref_squeeze %dma_start3A_864 : memref<1x128xi32, #tpu.memory_space<vmem>> -> memref<128xi32, #tpu.memory_space<vmem>>
        %dma_start3A_866 = arith.constant 0 : i32
        %dma_start3A_867 = arith.constant 0 : i32
        %dma_start3A_868 = tpu.memref_slice %arg3[%dma_start3A_866, %dma_start3A_867] : memref<1000000x32xf32, #tpu.memory_space<hbm>> -> memref<1000000x32xf32, #tpu.memory_space<hbm>>
        tpu.enqueue_indirect_dma source(%dma_start3A_868 : memref<1000000x32xf32, #tpu.memory_space<hbm>>) target(%dma_start3A_862 : memref<128x32xf32, #tpu.memory_space<vmem>>) offsets(%dma_start3A_865 : memref<128xi32, #tpu.memory_space<vmem>>) semaphore(%arg9 : memref<!tpu.dma_semaphore, #tpu.memory_space<semaphore_mem>>)
        %dma_start3A_869 = arith.constant 2 : i32
        %dma_start3A_870 = arith.constant 2 : i32
        %dma_start3A_871 = arith.constant 512 : i32
        %dma_start3A_872 = arith.constant 0 : i32
        %dma_start3A_873 = tpu.memref_slice %arg6[%dma_start3A_870, %dma_start3A_871, %dma_start3A_872] : memref<4x640x32xf32, #tpu.memory_space<vmem>> -> memref<1x128x32xf32, #tpu.memory_space<vmem>>
        %dma_start3A_874 = tpu.memref_squeeze %dma_start3A_873 : memref<1x128x32xf32, #tpu.memory_space<vmem>> -> memref<128x32xf32, #tpu.memory_space<vmem>>
        %dma_start3A_875 = arith.constant 512 : i32
        %dma_start3A_876 = tpu.memref_slice %arg5[%dma_start3A_869, %dma_start3A_875] : memref<4x640xi32, #tpu.memory_space<vmem>> -> memref<1x128xi32, #tpu.memory_space<vmem>>
        %dma_start3A_877 = tpu.memref_squeeze %dma_start3A_876 : memref<1x128xi32, #tpu.memory_space<vmem>> -> memref<128xi32, #tpu.memory_space<vmem>>
        %dma_start3A_878 = arith.constant 0 : i32
        %dma_start3A_879 = arith.constant 0 : i32
        %dma_start3A_880 = tpu.memref_slice %arg3[%dma_start3A_878, %dma_start3A_879] : memref<1000000x32xf32, #tpu.memory_space<hbm>> -> memref<1000000x32xf32, #tpu.memory_space<hbm>>
        tpu.enqueue_indirect_dma source(%dma_start3A_880 : memref<1000000x32xf32, #tpu.memory_space<hbm>>) target(%dma_start3A_874 : memref<128x32xf32, #tpu.memory_space<vmem>>) offsets(%dma_start3A_877 : memref<128xi32, #tpu.memory_space<vmem>>) semaphore(%arg9 : memref<!tpu.dma_semaphore, #tpu.memory_space<semaphore_mem>>)
        %dma_wait3A_881 = arith.constant 3 : i32
        %dma_wait3A_882 = arith.constant 0 : i32
        %dma_wait3A_883 = arith.constant 0 : i32
        %dma_wait3A_884 = tpu.memref_slice %arg6[%dma_wait3A_881, %dma_wait3A_882, %dma_wait3A_883] : memref<4x640x32xf32, #tpu.memory_space<vmem>> -> memref<1x640x32xf32, #tpu.memory_space<vmem>>
        %dma_wait3A_885 = tpu.memref_squeeze %dma_wait3A_884 : memref<1x640x32xf32, #tpu.memory_space<vmem>> -> memref<640x32xf32, #tpu.memory_space<vmem>>
        %dma_wait3A_886 = arith.constant 0 : i32
        %dma_wait3A_887 = tpu.memref_slice %arg4[%mul3A_2, %dma_wait3A_886] : memref<819200x32xf32, #tpu.memory_space<hbm>> -> memref<640x32xf32, #tpu.memory_space<hbm>>
        %dma_wait3A_888 = arith.constant 0 : i32
        %dma_wait3A_889 = tpu.memref_slice %arg4[%mul3A_2, %dma_wait3A_888] : memref<819200x32xf32, #tpu.memory_space<hbm>> -> memref<640x32xf32, #tpu.memory_space<hbm>>
        %dma_wait3A_890 = arith.constant 0 : i32
        %dma_wait3A_891 = arith.constant 0 : i32
        %dma_wait3A_892 = tpu.memref_slice %arg6[%dma_wait3A_881, %dma_wait3A_890, %dma_wait3A_891] : memref<4x640x32xf32, #tpu.memory_space<vmem>> -> memref<1x640x32xf32, #tpu.memory_space<vmem>>
        %dma_wait3A_893 = tpu.memref_squeeze %dma_wait3A_892 : memref<1x640x32xf32, #tpu.memory_space<vmem>> -> memref<640x32xf32, #tpu.memory_space<vmem>>
        tpu.wait_dma2 semaphore(%arg14 : memref<!tpu.dma_semaphore, #tpu.memory_space<semaphore_mem>>) src(%dma_wait3A_893 : memref<640x32xf32, #tpu.memory_space<vmem>>) dst(%dma_wait3A_889 : memref<640x32xf32, #tpu.memory_space<hbm>>)
        %add3A_894 = arith.constant 1 : i32
        %add3A_895 = arith.addi %scan3A_309, %add3A_894 : i32
        %mul3A_896 = arith.constant 4 : i32
        %mul3A_897 = arith.muli %add3A_895, %mul3A_896 : i32
        %add3A_898 = arith.constant 3 : i32
        %add3A_899 = arith.addi %mul3A_897, %add3A_898 : i32
        %mul3A_900 = arith.constant 640 : i32
        %mul3A_901 = arith.muli %add3A_899, %mul3A_900 : i32
        %add3A_902 = arith.addi %mul3A_2, %mul3A_901 : i32
        %run_scoped3A_903 = arith.constant 3 : i32
        "tpu.region"() ({
          %run_scoped3A_964 = tpu.sem_alloc : memref<!tpu.dma_semaphore, #tpu.memory_space<semaphore_mem>>
          %dma_start3A_965 = arith.constant 0 : i32
          %dma_start3A_966 = tpu.memref_slice %arg5[%run_scoped3A_903, %dma_start3A_965] : memref<4x640xi32, #tpu.memory_space<vmem>> -> memref<1x640xi32, #tpu.memory_space<vmem>>
          %dma_start3A_967 = tpu.memref_squeeze %dma_start3A_966 : memref<1x640xi32, #tpu.memory_space<vmem>> -> memref<640xi32, #tpu.memory_space<vmem>>
          %dma_start3A_968 = tpu.memref_slice %arg2[%add3A_902] : memref<819200xi32, #tpu.memory_space<hbm>> -> memref<640xi32, #tpu.memory_space<hbm>>
          %dma_start3A_969 = arith.constant 0 : i32
          %dma_start3A_970 = tpu.memref_slice %arg5[%run_scoped3A_903, %dma_start3A_969] : memref<4x640xi32, #tpu.memory_space<vmem>> -> memref<1x640xi32, #tpu.memory_space<vmem>>
          %dma_start3A_971 = tpu.memref_squeeze %dma_start3A_970 : memref<1x640xi32, #tpu.memory_space<vmem>> -> memref<640xi32, #tpu.memory_space<vmem>>
          %dma_start3A_972 = tpu.memref_slice %arg2[%add3A_902] : memref<819200xi32, #tpu.memory_space<hbm>> -> memref<640xi32, #tpu.memory_space<hbm>>
          tpu.enqueue_dma source(%dma_start3A_972 : memref<640xi32, #tpu.memory_space<hbm>>) target(%dma_start3A_971 : memref<640xi32, #tpu.memory_space<vmem>>) target_semaphore(%run_scoped3A_964 : memref<!tpu.dma_semaphore, #tpu.memory_space<semaphore_mem>>)
          %dma_wait3A_973 = arith.constant 0 : i32
          %dma_wait3A_974 = tpu.memref_slice %arg5[%run_scoped3A_903, %dma_wait3A_973] : memref<4x640xi32, #tpu.memory_space<vmem>> -> memref<1x640xi32, #tpu.memory_space<vmem>>
          %dma_wait3A_975 = tpu.memref_squeeze %dma_wait3A_974 : memref<1x640xi32, #tpu.memory_space<vmem>> -> memref<640xi32, #tpu.memory_space<vmem>>
          %dma_wait3A_976 = tpu.memref_slice %arg2[%add3A_902] : memref<819200xi32, #tpu.memory_space<hbm>> -> memref<640xi32, #tpu.memory_space<hbm>>
          %dma_wait3A_977 = arith.constant 0 : i32
          %dma_wait3A_978 = tpu.memref_slice %arg5[%run_scoped3A_903, %dma_wait3A_977] : memref<4x640xi32, #tpu.memory_space<vmem>> -> memref<1x640xi32, #tpu.memory_space<vmem>>
          %dma_wait3A_979 = tpu.memref_squeeze %dma_wait3A_978 : memref<1x640xi32, #tpu.memory_space<vmem>> -> memref<640xi32, #tpu.memory_space<vmem>>
          %dma_wait3A_980 = tpu.memref_slice %arg2[%add3A_902] : memref<819200xi32, #tpu.memory_space<hbm>> -> memref<640xi32, #tpu.memory_space<hbm>>
          tpu.wait_dma2 semaphore(%run_scoped3A_964 : memref<!tpu.dma_semaphore, #tpu.memory_space<semaphore_mem>>) src(%dma_wait3A_980 : memref<640xi32, #tpu.memory_space<hbm>>) dst(%dma_wait3A_979 : memref<640xi32, #tpu.memory_space<vmem>>)
          tpu.yield
        }) : () -> ()
        %dma_start3A_904 = arith.constant 3 : i32
        %dma_start3A_905 = arith.constant 3 : i32
        %dma_start3A_906 = arith.constant 0 : i32
        %dma_start3A_907 = arith.constant 0 : i32
        %dma_start3A_908 = tpu.memref_slice %arg6[%dma_start3A_905, %dma_start3A_906, %dma_start3A_907] : memref<4x640x32xf32, #tpu.memory_space<vmem>> -> memref<1x128x32xf32, #tpu.memory_space<vmem>>
        %dma_start3A_909 = tpu.memref_squeeze %dma_start3A_908 : memref<1x128x32xf32, #tpu.memory_space<vmem>> -> memref<128x32xf32, #tpu.memory_space<vmem>>
        %dma_start3A_910 = arith.constant 0 : i32
        %dma_start3A_911 = tpu.memref_slice %arg5[%dma_start3A_904, %dma_start3A_910] : memref<4x640xi32, #tpu.memory_space<vmem>> -> memref<1x128xi32, #tpu.memory_space<vmem>>
        %dma_start3A_912 = tpu.memref_squeeze %dma_start3A_911 : memref<1x128xi32, #tpu.memory_space<vmem>> -> memref<128xi32, #tpu.memory_space<vmem>>
        %dma_start3A_913 = arith.constant 0 : i32
        %dma_start3A_914 = arith.constant 0 : i32
        %dma_start3A_915 = tpu.memref_slice %arg3[%dma_start3A_913, %dma_start3A_914] : memref<1000000x32xf32, #tpu.memory_space<hbm>> -> memref<1000000x32xf32, #tpu.memory_space<hbm>>
        tpu.enqueue_indirect_dma source(%dma_start3A_915 : memref<1000000x32xf32, #tpu.memory_space<hbm>>) target(%dma_start3A_909 : memref<128x32xf32, #tpu.memory_space<vmem>>) offsets(%dma_start3A_912 : memref<128xi32, #tpu.memory_space<vmem>>) semaphore(%arg10 : memref<!tpu.dma_semaphore, #tpu.memory_space<semaphore_mem>>)
        %dma_start3A_916 = arith.constant 3 : i32
        %dma_start3A_917 = arith.constant 3 : i32
        %dma_start3A_918 = arith.constant 128 : i32
        %dma_start3A_919 = arith.constant 0 : i32
        %dma_start3A_920 = tpu.memref_slice %arg6[%dma_start3A_917, %dma_start3A_918, %dma_start3A_919] : memref<4x640x32xf32, #tpu.memory_space<vmem>> -> memref<1x128x32xf32, #tpu.memory_space<vmem>>
        %dma_start3A_921 = tpu.memref_squeeze %dma_start3A_920 : memref<1x128x32xf32, #tpu.memory_space<vmem>> -> memref<128x32xf32, #tpu.memory_space<vmem>>
        %dma_start3A_922 = arith.constant 128 : i32
        %dma_start3A_923 = tpu.memref_slice %arg5[%dma_start3A_916, %dma_start3A_922] : memref<4x640xi32, #tpu.memory_space<vmem>> -> memref<1x128xi32, #tpu.memory_space<vmem>>
        %dma_start3A_924 = tpu.memref_squeeze %dma_start3A_923 : memref<1x128xi32, #tpu.memory_space<vmem>> -> memref<128xi32, #tpu.memory_space<vmem>>
        %dma_start3A_925 = arith.constant 0 : i32
        %dma_start3A_926 = arith.constant 0 : i32
        %dma_start3A_927 = tpu.memref_slice %arg3[%dma_start3A_925, %dma_start3A_926] : memref<1000000x32xf32, #tpu.memory_space<hbm>> -> memref<1000000x32xf32, #tpu.memory_space<hbm>>
        tpu.enqueue_indirect_dma source(%dma_start3A_927 : memref<1000000x32xf32, #tpu.memory_space<hbm>>) target(%dma_start3A_921 : memref<128x32xf32, #tpu.memory_space<vmem>>) offsets(%dma_start3A_924 : memref<128xi32, #tpu.memory_space<vmem>>) semaphore(%arg10 : memref<!tpu.dma_semaphore, #tpu.memory_space<semaphore_mem>>)
        %dma_start3A_928 = arith.constant 3 : i32
        %dma_start3A_929 = arith.constant 3 : i32
        %dma_start3A_930 = arith.constant 256 : i32
        %dma_start3A_931 = arith.constant 0 : i32
        %dma_start3A_932 = tpu.memref_slice %arg6[%dma_start3A_929, %dma_start3A_930, %dma_start3A_931] : memref<4x640x32xf32, #tpu.memory_space<vmem>> -> memref<1x128x32xf32, #tpu.memory_space<vmem>>
        %dma_start3A_933 = tpu.memref_squeeze %dma_start3A_932 : memref<1x128x32xf32, #tpu.memory_space<vmem>> -> memref<128x32xf32, #tpu.memory_space<vmem>>
        %dma_start3A_934 = arith.constant 256 : i32
        %dma_start3A_935 = tpu.memref_slice %arg5[%dma_start3A_928, %dma_start3A_934] : memref<4x640xi32, #tpu.memory_space<vmem>> -> memref<1x128xi32, #tpu.memory_space<vmem>>
        %dma_start3A_936 = tpu.memref_squeeze %dma_start3A_935 : memref<1x128xi32, #tpu.memory_space<vmem>> -> memref<128xi32, #tpu.memory_space<vmem>>
        %dma_start3A_937 = arith.constant 0 : i32
        %dma_start3A_938 = arith.constant 0 : i32
        %dma_start3A_939 = tpu.memref_slice %arg3[%dma_start3A_937, %dma_start3A_938] : memref<1000000x32xf32, #tpu.memory_space<hbm>> -> memref<1000000x32xf32, #tpu.memory_space<hbm>>
        tpu.enqueue_indirect_dma source(%dma_start3A_939 : memref<1000000x32xf32, #tpu.memory_space<hbm>>) target(%dma_start3A_933 : memref<128x32xf32, #tpu.memory_space<vmem>>) offsets(%dma_start3A_936 : memref<128xi32, #tpu.memory_space<vmem>>) semaphore(%arg10 : memref<!tpu.dma_semaphore, #tpu.memory_space<semaphore_mem>>)
        %dma_start3A_940 = arith.constant 3 : i32
        %dma_start3A_941 = arith.constant 3 : i32
        %dma_start3A_942 = arith.constant 384 : i32
        %dma_start3A_943 = arith.constant 0 : i32
        %dma_start3A_944 = tpu.memref_slice %arg6[%dma_start3A_941, %dma_start3A_942, %dma_start3A_943] : memref<4x640x32xf32, #tpu.memory_space<vmem>> -> memref<1x128x32xf32, #tpu.memory_space<vmem>>
        %dma_start3A_945 = tpu.memref_squeeze %dma_start3A_944 : memref<1x128x32xf32, #tpu.memory_space<vmem>> -> memref<128x32xf32, #tpu.memory_space<vmem>>
        %dma_start3A_946 = arith.constant 384 : i32
        %dma_start3A_947 = tpu.memref_slice %arg5[%dma_start3A_940, %dma_start3A_946] : memref<4x640xi32, #tpu.memory_space<vmem>> -> memref<1x128xi32, #tpu.memory_space<vmem>>
        %dma_start3A_948 = tpu.memref_squeeze %dma_start3A_947 : memref<1x128xi32, #tpu.memory_space<vmem>> -> memref<128xi32, #tpu.memory_space<vmem>>
        %dma_start3A_949 = arith.constant 0 : i32
        %dma_start3A_950 = arith.constant 0 : i32
        %dma_start3A_951 = tpu.memref_slice %arg3[%dma_start3A_949, %dma_start3A_950] : memref<1000000x32xf32, #tpu.memory_space<hbm>> -> memref<1000000x32xf32, #tpu.memory_space<hbm>>
        tpu.enqueue_indirect_dma source(%dma_start3A_951 : memref<1000000x32xf32, #tpu.memory_space<hbm>>) target(%dma_start3A_945 : memref<128x32xf32, #tpu.memory_space<vmem>>) offsets(%dma_start3A_948 : memref<128xi32, #tpu.memory_space<vmem>>) semaphore(%arg10 : memref<!tpu.dma_semaphore, #tpu.memory_space<semaphore_mem>>)
        %dma_start3A_952 = arith.constant 3 : i32
        %dma_start3A_953 = arith.constant 3 : i32
        %dma_start3A_954 = arith.constant 512 : i32
        %dma_start3A_955 = arith.constant 0 : i32
        %dma_start3A_956 = tpu.memref_slice %arg6[%dma_start3A_953, %dma_start3A_954, %dma_start3A_955] : memref<4x640x32xf32, #tpu.memory_space<vmem>> -> memref<1x128x32xf32, #tpu.memory_space<vmem>>
        %dma_start3A_957 = tpu.memref_squeeze %dma_start3A_956 : memref<1x128x32xf32, #tpu.memory_space<vmem>> -> memref<128x32xf32, #tpu.memory_space<vmem>>
        %dma_start3A_958 = arith.constant 512 : i32
        %dma_start3A_959 = tpu.memref_slice %arg5[%dma_start3A_952, %dma_start3A_958] : memref<4x640xi32, #tpu.memory_space<vmem>> -> memref<1x128xi32, #tpu.memory_space<vmem>>
        %dma_start3A_960 = tpu.memref_squeeze %dma_start3A_959 : memref<1x128xi32, #tpu.memory_space<vmem>> -> memref<128xi32, #tpu.memory_space<vmem>>
        %dma_start3A_961 = arith.constant 0 : i32
        %dma_start3A_962 = arith.constant 0 : i32
        %dma_start3A_963 = tpu.memref_slice %arg3[%dma_start3A_961, %dma_start3A_962] : memref<1000000x32xf32, #tpu.memory_space<hbm>> -> memref<1000000x32xf32, #tpu.memory_space<hbm>>
        tpu.enqueue_indirect_dma source(%dma_start3A_963 : memref<1000000x32xf32, #tpu.memory_space<hbm>>) target(%dma_start3A_957 : memref<128x32xf32, #tpu.memory_space<vmem>>) offsets(%dma_start3A_960 : memref<128xi32, #tpu.memory_space<vmem>>) semaphore(%arg10 : memref<!tpu.dma_semaphore, #tpu.memory_space<semaphore_mem>>)
      } else {
      }
    }
    %scan3A_257 = arith.constant 10 : i32
    %dma_wait3A = arith.constant 0 : i32
    %dma_wait3A_258 = arith.constant 0 : i32
    %dma_wait3A_259 = arith.constant 0 : i32
    %dma_wait3A_260 = tpu.memref_slice %arg6[%dma_wait3A, %dma_wait3A_258, %dma_wait3A_259] : memref<4x640x32xf32, #tpu.memory_space<vmem>> -> memref<1x640x32xf32, #tpu.memory_space<vmem>>
    %dma_wait3A_261 = tpu.memref_squeeze %dma_wait3A_260 : memref<1x640x32xf32, #tpu.memory_space<vmem>> -> memref<640x32xf32, #tpu.memory_space<vmem>>
    %dma_wait3A_262 = arith.constant 0 : i32
    %dma_wait3A_263 = tpu.memref_slice %arg4[%mul3A_2, %dma_wait3A_262] : memref<819200x32xf32, #tpu.memory_space<hbm>> -> memref<640x32xf32, #tpu.memory_space<hbm>>
    %dma_wait3A_264 = arith.constant 0 : i32
    %dma_wait3A_265 = tpu.memref_slice %arg4[%mul3A_2, %dma_wait3A_264] : memref<819200x32xf32, #tpu.memory_space<hbm>> -> memref<640x32xf32, #tpu.memory_space<hbm>>
    %dma_wait3A_266 = arith.constant 0 : i32
    %dma_wait3A_267 = arith.constant 0 : i32
    %dma_wait3A_268 = tpu.memref_slice %arg6[%dma_wait3A, %dma_wait3A_266, %dma_wait3A_267] : memref<4x640x32xf32, #tpu.memory_space<vmem>> -> memref<1x640x32xf32, #tpu.memory_space<vmem>>
    %dma_wait3A_269 = tpu.memref_squeeze %dma_wait3A_268 : memref<1x640x32xf32, #tpu.memory_space<vmem>> -> memref<640x32xf32, #tpu.memory_space<vmem>>
    tpu.wait_dma2 semaphore(%arg11 : memref<!tpu.dma_semaphore, #tpu.memory_space<semaphore_mem>>) src(%dma_wait3A_269 : memref<640x32xf32, #tpu.memory_space<vmem>>) dst(%dma_wait3A_265 : memref<640x32xf32, #tpu.memory_space<hbm>>)
    %dma_wait3A_270 = arith.constant 1 : i32
    %dma_wait3A_271 = arith.constant 0 : i32
    %dma_wait3A_272 = arith.constant 0 : i32
    %dma_wait3A_273 = tpu.memref_slice %arg6[%dma_wait3A_270, %dma_wait3A_271, %dma_wait3A_272] : memref<4x640x32xf32, #tpu.memory_space<vmem>> -> memref<1x640x32xf32, #tpu.memory_space<vmem>>
    %dma_wait3A_274 = tpu.memref_squeeze %dma_wait3A_273 : memref<1x640x32xf32, #tpu.memory_space<vmem>> -> memref<640x32xf32, #tpu.memory_space<vmem>>
    %dma_wait3A_275 = arith.constant 0 : i32
    %dma_wait3A_276 = tpu.memref_slice %arg4[%mul3A_2, %dma_wait3A_275] : memref<819200x32xf32, #tpu.memory_space<hbm>> -> memref<640x32xf32, #tpu.memory_space<hbm>>
    %dma_wait3A_277 = arith.constant 0 : i32
    %dma_wait3A_278 = tpu.memref_slice %arg4[%mul3A_2, %dma_wait3A_277] : memref<819200x32xf32, #tpu.memory_space<hbm>> -> memref<640x32xf32, #tpu.memory_space<hbm>>
    %dma_wait3A_279 = arith.constant 0 : i32
    %dma_wait3A_280 = arith.constant 0 : i32
    %dma_wait3A_281 = tpu.memref_slice %arg6[%dma_wait3A_270, %dma_wait3A_279, %dma_wait3A_280] : memref<4x640x32xf32, #tpu.memory_space<vmem>> -> memref<1x640x32xf32, #tpu.memory_space<vmem>>
    %dma_wait3A_282 = tpu.memref_squeeze %dma_wait3A_281 : memref<1x640x32xf32, #tpu.memory_space<vmem>> -> memref<640x32xf32, #tpu.memory_space<vmem>>
    tpu.wait_dma2 semaphore(%arg12 : memref<!tpu.dma_semaphore, #tpu.memory_space<semaphore_mem>>) src(%dma_wait3A_282 : memref<640x32xf32, #tpu.memory_space<vmem>>) dst(%dma_wait3A_278 : memref<640x32xf32, #tpu.memory_space<hbm>>)
    %dma_wait3A_283 = arith.constant 2 : i32
    %dma_wait3A_284 = arith.constant 0 : i32
    %dma_wait3A_285 = arith.constant 0 : i32
    %dma_wait3A_286 = tpu.memref_slice %arg6[%dma_wait3A_283, %dma_wait3A_284, %dma_wait3A_285] : memref<4x640x32xf32, #tpu.memory_space<vmem>> -> memref<1x640x32xf32, #tpu.memory_space<vmem>>
    %dma_wait3A_287 = tpu.memref_squeeze %dma_wait3A_286 : memref<1x640x32xf32, #tpu.memory_space<vmem>> -> memref<640x32xf32, #tpu.memory_space<vmem>>
    %dma_wait3A_288 = arith.constant 0 : i32
    %dma_wait3A_289 = tpu.memref_slice %arg4[%mul3A_2, %dma_wait3A_288] : memref<819200x32xf32, #tpu.memory_space<hbm>> -> memref<640x32xf32, #tpu.memory_space<hbm>>
    %dma_wait3A_290 = arith.constant 0 : i32
    %dma_wait3A_291 = tpu.memref_slice %arg4[%mul3A_2, %dma_wait3A_290] : memref<819200x32xf32, #tpu.memory_space<hbm>> -> memref<640x32xf32, #tpu.memory_space<hbm>>
    %dma_wait3A_292 = arith.constant 0 : i32
    %dma_wait3A_293 = arith.constant 0 : i32
    %dma_wait3A_294 = tpu.memref_slice %arg6[%dma_wait3A_283, %dma_wait3A_292, %dma_wait3A_293] : memref<4x640x32xf32, #tpu.memory_space<vmem>> -> memref<1x640x32xf32, #tpu.memory_space<vmem>>
    %dma_wait3A_295 = tpu.memref_squeeze %dma_wait3A_294 : memref<1x640x32xf32, #tpu.memory_space<vmem>> -> memref<640x32xf32, #tpu.memory_space<vmem>>
    tpu.wait_dma2 semaphore(%arg13 : memref<!tpu.dma_semaphore, #tpu.memory_space<semaphore_mem>>) src(%dma_wait3A_295 : memref<640x32xf32, #tpu.memory_space<vmem>>) dst(%dma_wait3A_291 : memref<640x32xf32, #tpu.memory_space<hbm>>)
    %dma_wait3A_296 = arith.constant 3 : i32
    %dma_wait3A_297 = arith.constant 0 : i32
    %dma_wait3A_298 = arith.constant 0 : i32
    %dma_wait3A_299 = tpu.memref_slice %arg6[%dma_wait3A_296, %dma_wait3A_297, %dma_wait3A_298] : memref<4x640x32xf32, #tpu.memory_space<vmem>> -> memref<1x640x32xf32, #tpu.memory_space<vmem>>
    %dma_wait3A_300 = tpu.memref_squeeze %dma_wait3A_299 : memref<1x640x32xf32, #tpu.memory_space<vmem>> -> memref<640x32xf32, #tpu.memory_space<vmem>>
    %dma_wait3A_301 = arith.constant 0 : i32
    %dma_wait3A_302 = tpu.memref_slice %arg4[%mul3A_2, %dma_wait3A_301] : memref<819200x32xf32, #tpu.memory_space<hbm>> -> memref<640x32xf32, #tpu.memory_space<hbm>>
    %dma_wait3A_303 = arith.constant 0 : i32
    %dma_wait3A_304 = tpu.memref_slice %arg4[%mul3A_2, %dma_wait3A_303] : memref<819200x32xf32, #tpu.memory_space<hbm>> -> memref<640x32xf32, #tpu.memory_space<hbm>>
    %dma_wait3A_305 = arith.constant 0 : i32
    %dma_wait3A_306 = arith.constant 0 : i32
    %dma_wait3A_307 = tpu.memref_slice %arg6[%dma_wait3A_296, %dma_wait3A_305, %dma_wait3A_306] : memref<4x640x32xf32, #tpu.memory_space<vmem>> -> memref<1x640x32xf32, #tpu.memory_space<vmem>>
    %dma_wait3A_308 = tpu.memref_squeeze %dma_wait3A_307 : memref<1x640x32xf32, #tpu.memory_space<vmem>> -> memref<640x32xf32, #tpu.memory_space<vmem>>
    tpu.wait_dma2 semaphore(%arg14 : memref<!tpu.dma_semaphore, #tpu.memory_space<semaphore_mem>>) src(%dma_wait3A_308 : memref<640x32xf32, #tpu.memory_space<vmem>>) dst(%dma_wait3A_304 : memref<640x32xf32, #tpu.memory_space<hbm>>)
    return
  }
}

</mosaic_0001>

<sc_bundles>
// kernel: _gather_rows.3.cloned.1.call-start
scs
__scs_entry_jumppad:
0x0: {  	(pc) =	sbr.rel $0x88, $3  }
0x1: {  	(tag) =	ssettag $0x0;
	lr =	simm.s32 $0x1  }
0x2: {  	[smem:$0x3F9F] =	sst lr;
	_ =	strace $0xD0000000  }
0x3: {  	_ = 	snop  }
0x4: {  	_ = 	snop  }
0x5: {  	_ = 	snop  }
0x6: {  	_ = 	snop  }
0x7: {  	_ = 	snop  }
__scs_overlays_trampoline_lowered:
0x8: {  	[smem:$0x3FAE] =	sst s0  }
0x9: {  	[smem:$0x3FAF] =	sst s1  }
0xa: {  	[smem:$0x3FB0] =	sst s2  }
0xb: {  	[smem:$0x3FB1] =	sst s3  }
0xc: {  	[smem:$0x3FB2] =	sst s4  }
0xd: {  	[smem:$0x3FB3] =	sst s5  }
0xe: {  	[smem:$0x3FB4] =	sst s6  }
0xf: {  	[smem:$0x3FB5] =	sst s7  }
0x10: {  	[smem:$0x3FB6] =	sst s8  }
0x11: {  	[smem:$0x3FB7] =	sst s9;
	s0 =	simm.s32 @!p0 $0x0  }
0x12: {  	s1 =	sld [smem:$0x3F9D];
	s0 =	simm.s32 @p0 $0x1  }
0x13: {  	[smem:$0x3FB8] =	sst s0;
	s0 =	simm.s32 @!p1 $0x0  }
0x14: {  	s2 =	sld [smem:$0x3F9C];
	s0 =	simm.s32 @p1 $0x1  }
0x15: {  	[smem:$0x3FB9] =	sst s0;
	s0 =	simm.s32 @!p2 $0x0  }
0x16: {  	s3 =	sld [smem:$0x3FDB];
	s0 =	simm.s32 @p2 $0x1  }
0x17: {  	s4 =	simm.s32 $0x1BF5;
	[smem:$0x3FBB] =	sst s0  }
0x18: {  	s0 =	sld [smem:$0x3F9E];
	_ =	swait.ge [sflag:s4], $0x0  }
0x19: {  	s7 =	sld [smem:$0x3F9F]  }
0x1a: {  	s8 =	sadd.s32 $0xFFFFE003, lr  }
0x1b: {  	s9 =	sadd.s32 $0xFFFFFEF7, lr;
	s5 =	simm.s32 $0xFFFFFFFF;
	p2 =	slt.u32 s8, $0xFFFFF086  }
0x1c: {  	p1 =	slt.u32 s9, $0xF7A;
	s5 =	simm.s32 @!p2 $0x0  }
0x1d: {  	s5 =	simm.s32 @p1 $0x1;
	p0 =	seq.s32 s7, s2  }
0x1e: {  	s7 =	smul.u32 @!p0 $0xF7A, s2;
	p2 =	seq.s32 @!p0 s5, $0x0  }
0x1f: {  	s9 =	smul.u32 $0xF7A, s1;
	s8 =	simm.s32 @!p0 $0x1BF5;
	p2 =	por !p2, p0  }
0x20: {  	[sflag:s8] =	ssyncset.s32 @!p0 $0xFFFFF086;
	s6 =	sadd.s32 @!p0 s3, s7;
	s7 =	simm.s32 @!p0 $0x108  }
0x21: {  	s3 =	sadd.s32 s3, s9;
	s6 =	sadd.s32 @!p0 $0x88, s6;
	s7 =	simm.s32 @p2 $0x1082  }
0x22: {  	[simem:s7], [sflag:s8] =	dma.local @!p0 [hbm:s6], $0xF7A  }
0x23: {  	s9 =	sor.u32 $0xD0000000, s2;
	s6 =	simm.s32 $0x108;
	_ =	swait.ge @!p0 [sflag:s8], $0x0  }
0x24: {  	s3 =	sadd.s32 $0x88, s3;
	s6 =	simm.s32 @!p1 $0x1082;
	[sflag:s4] =	ssyncset.s32 $0xFFFFF086  }
0x25: {  	[simem:s6], [sflag:s4] =	dma.local [hbm:s3], $0xF7A  }
0x26: {  	[smem:$0x3F9F] =	sst s1;
	(tag) =	ssettag s2;
	_ =	strace s9  }
0x27: {  	s1 =	sld [smem:$0x3FAF]  }
0x28: {  	s2 =	sld [smem:$0x3FB0]  }
0x29: {  	s4 =	sld [smem:$0x3FB2]  }
0x2a: {  	p0 =	seq.s32 s5, $0x0;
	s5 =	sld [smem:$0x3FB3]  }
0x2b: {  	s6 =	sld [smem:$0x3FB4]  }
0x2c: {  	s7 =	sld [smem:$0x3FB5]  }
0x2d: {  	s3 =	simm.s32 $0x108;
	s8 =	sld [smem:$0x3FB6]  }
0x2e: {  	s3 =	simm.s32 @!p0 $0x1082;
	s9 =	sld [smem:$0x3FB7]  }
0x2f: {  	lr =	sadd.s32 s0, s3;
	s0 =	sld [smem:$0x3FAE]  }
0x30: {  	s3 =	sld [smem:$0x3FB1]  }
0x31: {  	[smem:$0x3FBA] =	sst s10  }
0x32: {  	s10 =	sld [smem:$0x3FB8];
	_ =	sdelay $0x3  }
0x33: {  	p0 =	seq.s32 s10, $0x1;
	s10 =	sld [smem:$0x3FBA];
	_ =	sdelay $0x3  }
0x34: {  	[smem:$0x3FBA] =	sst s10  }
0x35: {  	s10 =	sld [smem:$0x3FB9];
	_ =	sdelay $0x3  }
0x36: {  	p1 =	seq.s32 s10, $0x1;
	s10 =	sld [smem:$0x3FBA];
	_ =	sdelay $0x3  }
0x37: {  	[smem:$0x3FBA] =	sst s10  }
0x38: {  	s10 =	sld [smem:$0x3FBB]  }
0x39: {  	_ = 	snop;
	(pc) =	sbr.ind lr, $3  }
0x3a: {  	_ = 	snop  }
0x3b: {  	_ = 	snop  }
0x3c: {  	p2 =	seq.s32 s10, $0x1;
	s10 =	sld [smem:$0x3FBA]  }
0x3d: {  	_ =	shalt  }
0x3e: {  	_ =	shalt  }
0x3f: {  	_ =	shalt  }
0x40: {  	_ =	shalt  }
0x41: {  	_ =	shalt  }
0x42: {  	_ =	shalt  }
0x43: {  	_ =	shalt  }
0x44: {  	_ =	shalt  }
0x45: {  	_ =	shalt  }
0x46: {  	_ =	shalt  }
0x47: {  	_ =	shalt  }
0x48: {  	_ =	shalt  }
0x49: {  	_ =	shalt  }
0x4a: {  	_ =	shalt  }
0x4b: {  	_ =	shalt  }
0x4c: {  	_ =	shalt  }
0x4d: {  	_ =	shalt  }
0x4e: {  	_ =	shalt  }
0x4f: {  	_ =	shalt  }
0x50: {  	_ =	shalt  }
0x51: {  	_ =	shalt  }
0x52: {  	_ =	shalt  }
0x53: {  	_ =	shalt  }
0x54: {  	_ =	shalt  }
0x55: {  	_ =	shalt  }
0x56: {  	_ =	shalt  }
0x57: {  	_ =	shalt  }
0x58: {  	_ =	shalt  }
0x59: {  	_ =	shalt  }
0x5a: {  	_ =	shalt  }
0x5b: {  	_ =	shalt  }
0x5c: {  	_ =	shalt  }
0x5d: {  	_ =	shalt  }
0x5e: {  	_ =	shalt  }
0x5f: {  	_ =	shalt  }
0x60: {  	_ =	shalt  }
0x61: {  	_ =	shalt  }
0x62: {  	_ =	shalt  }
0x63: {  	_ =	shalt  }
0x64: {  	_ =	shalt  }
0x65: {  	_ =	shalt  }
0x66: {  	_ =	shalt  }
0x67: {  	_ =	shalt  }
0x68: {  	_ =	shalt  }
0x69: {  	_ =	shalt  }
0x6a: {  	_ =	shalt  }
0x6b: {  	_ =	shalt  }
0x6c: {  	_ =	shalt  }
0x6d: {  	_ =	shalt  }
0x6e: {  	_ =	shalt  }
0x6f: {  	_ =	shalt  }
0x70: {  	_ =	shalt  }
0x71: {  	_ =	shalt  }
0x72: {  	_ =	shalt  }
0x73: {  	_ =	shalt  }
0x74: {  	_ =	shalt  }
0x75: {  	_ =	shalt  }
0x76: {  	_ =	shalt  }
0x77: {  	_ =	shalt  }
0x78: {  	_ =	shalt  }
0x79: {  	_ =	shalt  }
0x7a: {  	_ =	shalt  }
0x7b: {  	_ =	shalt  }
0x7c: {  	_ =	shalt  }
0x7d: {  	_ =	shalt  }
0x7e: {  	_ =	shalt  }
0x7f: {  	_ =	shalt  }
0x80: {  	_ =	shalt  }
0x81: {  	_ =	shalt  }
0x82: {  	_ =	shalt  }
0x83: {  	_ =	shalt  }
0x84: {  	_ =	shalt  }
0x85: {  	_ =	shalt  }
0x86: {  	_ =	shalt  }
0x87: {  	_ =	shalt  }
.Lfunc_end0:
.L_simem_size_0:
called_computation.1_lowered:
.L_overlay_start_0:
0x88: {  	s2 =	sld [smem:$0x3FD9]  }
0x89: {  	s3 =	sld [smem:$0x3FFE];
	_ =	sdelay $0x1  }
0x8a: {  	s1 =	srdreg.scid  }
0x8b: {  	s0 =	sand.u32 $0x1, s1  }
0x8c: {  	s17 =	sshll.u32 s0, $0xA;
	s2 =	sadd.s32 s3, s2  }
0x8d: {  	s2 =	sadd.s32 s2, s17  }
0x8e: {  	[smem:$0x3FC6] =	sst s2  }
0x8f: {  	_ = 	snop  }
0x90: {  	s2 =	sld [smem:$0x3FC9]  }
0x91: {  	s18 =	sld [smem:$0x3FD0];
	(tm) =	ssettm $0x1  }
0x92: {  	s4 =	sld [smem:$0x3FFB];
	_ =	sdelay $0x3  }
0x93: {  	_ =	strace s4  }
0x94: {  	s4 =	sld [smem:$0x3FFC];
	_ =	sdelay $0x3  }
0x95: {  	_ =	strace s4  }
0x96: {  	s4 =	sld [smem:$0x3FFD];
	_ =	sdelay $0x3  }
0x97: {  	_ =	strace s4  }
0x98: {  	_ =	strace $0x8FFFFFFF  }
0x99: {  	s19 =	sld [smem:$0x3FDB];
	_ =	sdelay $0x1  }
0x9a: {  	s5 =	simm.s32 $_scs_section_size  }
0x9b: {  	s6 =	simm.s32 $_size__tile_overlayer_lowered;
	s7 =	simm.s32 $_tile_overlayer_lowered  }
0x9c: {  	s22 =	simm.s32 $0x1BFF;
	s21 =	sshll.u32 s7, $0x1;
	s4 =	sadd.s32 s5, s19  }
0x9d: {  	s8 =	simm.s32 $0x0;
	s20 =	sshll.u32 s6, $0x1;
	s6 =	sadd.s32 s21, s4  }
0x9e: {  	[timem:s8], [sflag:s22] =	dma.local [hbm:s6], s20  }
0x9f: {  	_ =	swait.ge [sflag:s22], s20  }
0xa0: {  	s5 =	ssub.s32 $0x0, s20;
	[sflag:s22] =	ssyncset.done $0x0  }
0xa1: {  	[sflag:s22] =	ssyncadd.s32 s5;
	_ =	sdelay $0x1  }
0xa2: {  	s23 =	simm.s32 $0x1B8B  }
0xa3: {  	_ =	swait.ge [sflag:s23], $0x1  }
0xa4: {  	[sflag:s23] =	ssyncset.done $0x0  }
0xa5: {  	s25 =	simm.s32 $0x1B8E;
	s24 =	sld [smem:$0x3FFE];
	[sflag:s23] =	ssyncadd.s32 $0xFFFFFFFF  }
0xa6: {  	s26 =	simm.s32 $execute0_lowered;
	[smem:$0x3FD2] =	sst s25  }
0xa7: {  	s6 =	sshll.u32 s26, $0x1;
	_ =	strace $0x80000046;
	[dreg:$0x1] =	wrdreg $0xFFFFFFFF  }
0xa8: {  	s28 =	simm.s32 $_size_execute0_lowered;
	s4 =	sadd.s32 s4, s6;
	[dreg:$0x0] =	wrdreg $0x0  }
0xa9: {  	s6 =	sshll.u32 s28, $0x1;
	[dreg:$0x2] =	wrdreg s4  }
0xaa: {  	[dreg:$0x3] =	wrdreg s6  }
0xab: {  	[dreg:$0x4] =	wrdreg $0xC0  }
0xac: {  	_ =	task [dreg:s8], $0x5FFFF  }
0xad: {  	[dreg:$0x1] =	wrdreg $0xFFFFFFFF  }
0xae: {  	[dreg:$0x0] =	wrdreg $0x60  }
0xaf: {  	[dreg:$0x2] =	wrdreg s2  }
0xb0: {  	[dreg:$0x3] =	wrdreg s24  }
0xb1: {  	[dreg:$0x4] =	wrdreg s18  }
0xb2: {  	[dreg:$0x5] =	wrdreg $0x9  }
0xb3: {  	_ =	task.clear_ibuf [dreg:s8], $0x6FFFF;
	_ =	strace $0x90000046  }
0xb4: {  	s29 =	simm.s32 $0x9;
	_ =	strace $0x80000048  }
0xb5: {  	_ =	swait.ge [sflag:s29], $0x1  }
0xb6: {  	[sflag:s29] =	ssyncadd.s32 $0xFFFFFFFF  }
0xb7: {  	_ =	strace $0x90000048  }
0xb8: {  	_ =	sfence  }
0xb9: {  	s30 =	sld [smem:$0x0];
	_ =	sdelay $0x2  }
0xba: {  	s31 =	sshll.u32 s1, $0xD;
	s1 =	sshrl.u32 s1, $0x2  }
0xbb: {  	s3 =	sand.u32 $0x4000, s31;
	s1 =	sadd.s32 s1, s30  }
0xbc: {  	s0 =	sor.u32 s3, s0;
	s1 =	sshll.u32 s1, $0x11  }
0xbd: {  	s0 =	sor.u32 s1, s0  }
0xbe: {  	s0 =	sadd.s32 $0x8F2B, s0  }
0xbf: {  	[sflag:s0] =	ssyncadd.remote.s32 $0x1  }
0xc0: {  	_ =	sfence.sel $0xFFFF  }
0xc1: {  	[dreg:$0x0] =	wrdreg $0xFFFFFFFF;
	(pc) =	sbr.abs _section_cstart, $3  }
0xc2: {  	[dreg:$0x1] =	wrdreg $0xFFFFFFFF  }
0xc3: {  	_ =	task.clear_ibuf [dreg:s8], $0x2FFFF;
	_ =	strace $0x9FFFFFFF  }
0xc4: {  	(tm) =	ssettm $0x7FFFFFFF  }
0xc5: {  	_ =	shalt  }
tec
execute0_lowered:
.L_overlay_start_1:
0x0: {  	(tag) =	ssettag $0x1  }
0x1: {  	s10 =	rddreg [dreg:$0x0]  }
0x2: {  	s0 =	rddreg [dreg:$0x1]  }
0x3: {  	s1 =	srdreg.scid;
	s9 =	stileid.u32  }
0x4: {  	s2 =	rddreg [dreg:$0x2];
	s3 =	simm.s32 $0x0;
	s29 =	simm.s32 $0x280  }
0x5: {  	s30 =	simm.s32 $0x5A00;
	s12 =	simm.s32 $0xAA00;
	s28 =	simm.s32 $0xFA00  }
0x6: {  	s13 =	simm.s32 $0x1;
	s1 =	sand.u32 $0x1, s1;
	s7 =	smul.u32 $0xC800, s9  }
0x7: {  	s4 =	sshll.u32 s9, $0x1;
	[smem:$0x7FF] =	sst s3;
	s26 =	smul.u32 $0x32000, s9  }
0x8: {  	s4 =	sor.u32 s1, s4;
	s6 =	ssub.s32 $0x2, s1;
	s17 =	smul.u32 $0x6400, s1  }
0x9: {  	s5 =	sadd.s32 $0xF42C00, s0;
	s4 =	smul.u32 $0x6400, s4;
	s8 =	sshrl.u32 s6, $0x1  }
0xa: {  	_ =	strace $0x80000047;
	s1 =	smul.u32 $0x19000, s1;
	s18 =	ssub.s32 s6, s8  }
0xb: {  	s4 =	sshrl.u32 s4, $0x3;
	s0 =	smax.u32 s18, $0x1;
	s18 =	simm.s32 $0x9  }
0xc: {  	s11 =	sadd.s32 s10, s4;
	s4 =	sadd.s32 s17, s7;
	[dreg:$0x8] =	wrdreg s0  }
0xd: {  	s19 =	sadd.s32 $0x50, s11;
	s20 =	sadd.s32 $0xA0, s11;
	[dreg:$0x4] =	wrdreg s11  }
0xe: {  	s21 =	sadd.s32 $0xF0, s11;
	s22 =	sadd.s32 $0xC80, s4;
	[dreg:$0x5] =	wrdreg s19  }
0xf: {  	s23 =	sadd.s32 $0xF00, s4;
	s7 =	sadd.s32 $0xA00, s4;
	[dreg:$0x6] =	wrdreg s20  }
0x10: {  	s25 =	sadd.s32 $0x1180, s4;
	s4 =	sshll.u32 s4, $0x2;
	[dreg:$0x7] =	wrdreg s21  }
0x11: {  	s11 =	simm.s32 $0x500;
	[dreg:$0x9] =	wrdreg s7;
	s0 =	sshrl.u32 s22, $0x3  }
0x12: {  	s6 =	sshrl.u32 s23, $0x3;
	s31 =	sadd.s32 s4, s2;
	s2 =	sadd.s32 s26, s2  }
0x13: {  	s19 =	simm.s32 $0x80;
	s20 =	simm.s32 $0xA00;
	s26 =	simm.s32 $0x780  }
0x14: {  	s4 =	simm.s32 $0x2;
	s21 =	simm.s32 $0x4;
	s22 =	simm.s32 $0x5  }
0x15: {  	s23 =	simm.s32 $0x6;
	s0 =	sadd.s32 s0, s10;
	s24 =	sadd.s32 s6, s10  }
.Ltmp0:
0x16: {  	s14 =	sadd.s32 $0x1E00, s31;
	s15 =	sadd.s32 $0x1400, s31;
	(pc) =	sbr.rel .LBB2_1-.Ltmp0, $4  }
0x17: {  	s16 =	sadd.s32 $0xA00, s31;
	s17 =	sadd.s32 s1, s2;
	s1 =	simm.s32 $0x3  }
0x18: {  	s2 =	simm.s32 $0x0;
	[dreg:$0xa] =	wrdreg s0;
	s0 =	sshrl.u32 s25, $0x3  }
0x19: {  	[dreg:$0xb] =	wrdreg s24;
	s24 =	simm.s32 $0x7;
	s0 =	sadd.s32 s0, s10  }
0x1a: {  	s25 =	simm.s32 $0x8;
	s10 =	simm.s32 $0x13A00;
	[dreg:$0xc] =	wrdreg s0  }
.LBB2_4:
0x1b: {  	_ =	swait.ge [sflag:s23], $0x5000  }
0x1c: {  	[sflag:s23] =	ssyncset.done $0x0  }
0x1d: {  	[sflag:s23] =	ssyncadd.s32 $0xFFFFB000  }
0x1e: {  	_ =	swait.ge [sflag:s24], $0x5000  }
0x1f: {  	[sflag:s24] =	ssyncset.done $0x0  }
0x20: {  	[sflag:s24] =	ssyncadd.s32 $0xFFFFB000  }
0x21: {  	_ =	swait.ge [sflag:s25], $0x5000  }
0x22: {  	s2 =	rddreg [dreg:$0xd]  }
0x23: {  	s0 =	rddreg [dreg:$0x8];
	s2 =	sadd.s32 $0x1, s2  }
0x24: {  	p0 =	sne.s32 s2, s0  }
.Ltmp1:
0x25: {  	_ = 	snop;
	(pc) =	sbr.rel @!p0 .LBB2_5-.Ltmp1, $3  }
0x26: {  	_ =	sdelay $0x1  }
0x27: {  	[sflag:s25] =	ssyncset.done $0x0  }
0x28: {  	[sflag:s25] =	ssyncadd.s32 $0xFFFFB000  }
.LBB2_1:
0x29: {  	[dreg:$0xd] =	wrdreg s2  }
0x2a: {  	s0 =	rddreg [dreg:$0x4]  }
0x2b: {  	[tilespmem:s3], [sflag:$0x9] =	stream.linear.gather [hbm4b:s0+s3], $0x280, $0x38;
	[tilespmem:$0x14A00] =	vst v63  }
0x2c: {  	_ =	swait.ge [sflag:s18], $0x280  }
0x2d: {  	[sflag:s18] =	ssyncset.done $0x0  }
0x2e: {  	[sflag:s18] =	ssyncadd.s32 $0xFFFFFD80  }
0x2f: {  	[tilespmem:s20], [sflag:$0x1] =	stream.indirect.gather [hbm4b:s5+s19], $0x20, s3, s19, $0xb8;
	[tilespmem:$0x14A00] =	vst v63  }
0x30: {  	s2 =	simm.s32 $0x1A00  }
0x31: {  	[tilespmem:s2], [sflag:$0x1] =	stream.indirect.gather [hbm4b:s5+s19], $0x20, s19, s19, $0xb8;
	[tilespmem:$0x14A00] =	vst v63  }
0x32: {  	s6 =	simm.s32 $0x100;
	s7 =	simm.s32 $0x2A00  }
0x33: {  	[tilespmem:s7], [sflag:$0x1] =	stream.indirect.gather [hbm4b:s5+s19], $0x20, s6, s19, $0xb8;
	[tilespmem:$0x14A00] =	vst v63  }
0x34: {  	s8 =	simm.s32 $0x180;
	s9 =	simm.s32 $0x3A00  }
0x35: {  	[tilespmem:s9], [sflag:$0x1] =	stream.indirect.gather [hbm4b:s5+s19], $0x20, s8, s19, $0xb8;
	[tilespmem:$0x14A00] =	vst v63  }
0x36: {  	s2 =	simm.s32 $0x200;
	s6 =	simm.s32 $0x4A00  }
0x37: {  	[tilespmem:s6], [sflag:$0x1] =	stream.indirect.gather [hbm4b:s5+s19], $0x20, s2, s19, $0xb8;
	[tilespmem:$0x14A00] =	vst v63  }
0x38: {  	s7 =	rddreg [dreg:$0x5]  }
0x39: {  	[tilespmem:s29], [sflag:$0x9] =	stream.linear.gather [hbm4b:s7+s3], $0x280, $0x38;
	[tilespmem:$0x14A00] =	vst v63  }
0x3a: {  	_ =	swait.ge [sflag:s18], $0x280  }
0x3b: {  	[sflag:s18] =	ssyncset.done $0x0  }
0x3c: {  	[sflag:s18] =	ssyncadd.s32 $0xFFFFFD80  }
0x3d: {  	[tilespmem:s30], [sflag:$0x2] =	stream.indirect.gather [hbm4b:s5+s19], $0x20, s29, s19, $0xb8;
	[tilespmem:$0x14A00] =	vst v63  }
0x3e: {  	s8 =	simm.s32 $0x300;
	s9 =	simm.s32 $0x6A00  }
0x3f: {  	[tilespmem:s9], [sflag:$0x2] =	stream.indirect.gather [hbm4b:s5+s19], $0x20, s8, s19, $0xb8;
	[tilespmem:$0x14A00] =	vst v63  }
0x40: {  	s6 =	simm.s32 $0x380;
	s7 =	simm.s32 $0x7A00  }
0x41: {  	[tilespmem:s7], [sflag:$0x2] =	stream.indirect.gather [hbm4b:s5+s19], $0x20, s6, s19, $0xb8;
	[tilespmem:$0x14A00] =	vst v63  }
0x42: {  	s8 =	simm.s32 $0x400;
	s9 =	simm.s32 $0x8A00  }
0x43: {  	[tilespmem:s9], [sflag:$0x2] =	stream.indirect.gather [hbm4b:s5+s19], $0x20, s8, s19, $0xb8;
	[tilespmem:$0x14A00] =	vst v63  }
0x44: {  	s2 =	simm.s32 $0x480;
	s6 =	simm.s32 $0x9A00  }
0x45: {  	[tilespmem:s6], [sflag:$0x2] =	stream.indirect.gather [hbm4b:s5+s19], $0x20, s2, s19, $0xb8;
	[tilespmem:$0x14A00] =	vst v63  }
0x46: {  	s7 =	rddreg [dreg:$0x6]  }
0x47: {  	[tilespmem:s11], [sflag:$0x9] =	stream.linear.gather [hbm4b:s7+s3], $0x280, $0x38;
	[tilespmem:$0x14A00] =	vst v63  }
0x48: {  	_ =	swait.ge [sflag:s18], $0x280  }
0x49: {  	[sflag:s18] =	ssyncset.done $0x0  }
0x4a: {  	[sflag:s18] =	ssyncadd.s32 $0xFFFFFD80  }
0x4b: {  	[tilespmem:s12], [sflag:$0x3] =	stream.indirect.gather [hbm4b:s5+s19], $0x20, s11, s19, $0xb8;
	[tilespmem:$0x14A00] =	vst v63  }
0x4c: {  	s8 =	simm.s32 $0x580;
	s9 =	simm.s32 $0xBA00  }
0x4d: {  	[tilespmem:s9], [sflag:$0x3] =	stream.indirect.gather [hbm4b:s5+s19], $0x20, s8, s19, $0xb8;
	[tilespmem:$0x14A00] =	vst v63  }
0x4e: {  	s6 =	simm.s32 $0x600;
	s7 =	simm.s32 $0xCA00  }
0x4f: {  	[tilespmem:s7], [sflag:$0x3] =	stream.indirect.gather [hbm4b:s5+s19], $0x20, s6, s19, $0xb8;
	[tilespmem:$0x14A00] =	vst v63  }
0x50: {  	s8 =	simm.s32 $0x680;
	s9 =	simm.s32 $0xDA00  }
0x51: {  	[tilespmem:s9], [sflag:$0x3] =	stream.indirect.gather [hbm4b:s5+s19], $0x20, s8, s19, $0xb8;
	[tilespmem:$0x14A00] =	vst v63  }
0x52: {  	s2 =	simm.s32 $0x700;
	s6 =	simm.s32 $0xEA00  }
0x53: {  	[tilespmem:s6], [sflag:$0x3] =	stream.indirect.gather [hbm4b:s5+s19], $0x20, s2, s19, $0xb8;
	[tilespmem:$0x14A00] =	vst v63  }
0x54: {  	s7 =	rddreg [dreg:$0x7]  }
0x55: {  	[tilespmem:s26], [sflag:$0x9] =	stream.linear.gather [hbm4b:s7+s3], $0x280, $0x38;
	[tilespmem:$0x14A00] =	vst v63  }
0x56: {  	_ =	swait.ge [sflag:s18], $0x280  }
0x57: {  	[sflag:s18] =	ssyncset.done $0x0  }
0x58: {  	[sflag:s18] =	ssyncadd.s32 $0xFFFFFD80  }
0x59: {  	[tilespmem:s28], [sflag:$0x4] =	stream.indirect.gather [hbm4b:s5+s19], $0x20, s26, s19, $0xb8;
	[tilespmem:$0x14A00] =	vst v63  }
0x5a: {  	s8 =	simm.s32 $0x800;
	s9 =	simm.s32 $0x10A00;
	s31 =	rddreg [dreg:$0xc]  }
0x5b: {  	[tilespmem:s9], [sflag:$0x4] =	stream.indirect.gather [hbm4b:s5+s19], $0x20, s8, s19, $0xb8;
	[tilespmem:$0x14A00] =	vst v63  }
0x5c: {  	s2 =	simm.s32 $0x880;
	s6 =	simm.s32 $0x11A00;
	s0 =	rddreg [dreg:$0xa]  }
0x5d: {  	[tilespmem:s6], [sflag:$0x4] =	stream.indirect.gather [hbm4b:s5+s19], $0x20, s2, s19, $0xb8;
	[tilespmem:$0x14A00] =	vst v63  }
0x5e: {  	s7 =	simm.s32 $0x900;
	s8 =	simm.s32 $0x12A00;
	s2 =	rddreg [dreg:$0xb]  }
0x5f: {  	[tilespmem:s8], [sflag:$0x4] =	stream.indirect.gather [hbm4b:s5+s19], $0x20, s7, s19, $0xb8;
	[tilespmem:$0x14A00] =	vst v63  }
0x60: {  	s9 =	simm.s32 $0x980;
	s6 =	rddreg [dreg:$0x9];
	s7 =	simm.s32 $0x0  }
0x61: {  	[tilespmem:s10], [sflag:$0x4] =	stream.indirect.gather [hbm4b:s5+s19], $0x20, s9, s19, $0xb8;
	[tilespmem:$0x14A00] =	vst v63  }
.LBB2_2:
0x62: {  	_ =	swait.ge [sflag:s13], $0x1000  }
0x63: {  	[sflag:s13] =	ssyncset.done $0x0  }
0x64: {  	[sflag:s13] =	ssyncadd.s32 $0xFFFFF000  }
0x65: {  	_ =	swait.ge [sflag:s13], $0x1000  }
0x66: {  	[sflag:s13] =	ssyncset.done $0x0  }
0x67: {  	[sflag:s13] =	ssyncadd.s32 $0xFFFFF000  }
0x68: {  	_ =	swait.ge [sflag:s13], $0x1000  }
0x69: {  	[sflag:s13] =	ssyncset.done $0x0  }
0x6a: {  	[sflag:s13] =	ssyncadd.s32 $0xFFFFF000  }
0x6b: {  	_ =	swait.ge [sflag:s13], $0x1000  }
0x6c: {  	[sflag:s13] =	ssyncset.done $0x0  }
0x6d: {  	[sflag:s13] =	ssyncadd.s32 $0xFFFFF000  }
0x6e: {  	_ =	swait.ge [sflag:s13], $0x1000  }
0x6f: {  	[sflag:s13] =	ssyncset.done $0x0  }
0x70: {  	s8 =	sadd.s32 s7, s17;
	[sflag:s13] =	ssyncadd.s32 $0xFFFFF000  }
0x71: {  	[hbm4b:s8+s3] =	stream.linear.scatter [tilespmem:s20], [sflag:$0x5], $0x5000, $0x38;
	[tilespmem:$0x14A00] =	vst v63  }
0x72: {  	_ =	swait.ge [sflag:s4], $0x1000  }
0x73: {  	[sflag:s4] =	ssyncset.done $0x0  }
0x74: {  	[sflag:s4] =	ssyncadd.s32 $0xFFFFF000  }
0x75: {  	_ =	swait.ge [sflag:s4], $0x1000  }
0x76: {  	[sflag:s4] =	ssyncset.done $0x0  }
0x77: {  	[sflag:s4] =	ssyncadd.s32 $0xFFFFF000  }
0x78: {  	_ =	swait.ge [sflag:s4], $0x1000  }
0x79: {  	[sflag:s4] =	ssyncset.done $0x0  }
0x7a: {  	[sflag:s4] =	ssyncadd.s32 $0xFFFFF000  }
0x7b: {  	_ =	swait.ge [sflag:s4], $0x1000  }
0x7c: {  	[sflag:s4] =	ssyncset.done $0x0  }
0x7d: {  	[sflag:s4] =	ssyncadd.s32 $0xFFFFF000  }
0x7e: {  	_ =	swait.ge [sflag:s4], $0x1000  }
0x7f: {  	[sflag:s4] =	ssyncset.done $0x0  }
0x80: {  	s9 =	sadd.s32 s7, s16;
	[sflag:s4] =	ssyncadd.s32 $0xFFFFF000  }
0x81: {  	[hbm4b:s9+s3] =	stream.linear.scatter [tilespmem:s30], [sflag:$0x6], $0x5000, $0x38;
	[tilespmem:$0x14A00] =	vst v63  }
0x82: {  	_ =	swait.ge [sflag:s1], $0x1000  }
0x83: {  	[sflag:s1] =	ssyncset.done $0x0  }
0x84: {  	[sflag:s1] =	ssyncadd.s32 $0xFFFFF000  }
0x85: {  	_ =	swait.ge [sflag:s1], $0x1000  }
0x86: {  	[sflag:s1] =	ssyncset.done $0x0  }
0x87: {  	[sflag:s1] =	ssyncadd.s32 $0xFFFFF000  }
0x88: {  	_ =	swait.ge [sflag:s1], $0x1000  }
0x89: {  	[sflag:s1] =	ssyncset.done $0x0  }
0x8a: {  	[sflag:s1] =	ssyncadd.s32 $0xFFFFF000  }
0x8b: {  	_ =	swait.ge [sflag:s1], $0x1000  }
0x8c: {  	[sflag:s1] =	ssyncset.done $0x0  }
0x8d: {  	[sflag:s1] =	ssyncadd.s32 $0xFFFFF000  }
0x8e: {  	_ =	swait.ge [sflag:s1], $0x1000  }
0x8f: {  	[sflag:s1] =	ssyncset.done $0x0  }
0x90: {  	s9 =	sadd.s32 s7, s15;
	[sflag:s1] =	ssyncadd.s32 $0xFFFFF000  }
0x91: {  	[hbm4b:s9+s3] =	stream.linear.scatter [tilespmem:s12], [sflag:$0x7], $0x5000, $0x38;
	[tilespmem:$0x14A00] =	vst v63  }
0x92: {  	_ =	swait.ge [sflag:s21], $0x1000  }
0x93: {  	[sflag:s21] =	ssyncset.done $0x0  }
0x94: {  	[sflag:s21] =	ssyncadd.s32 $0xFFFFF000  }
0x95: {  	_ =	swait.ge [sflag:s21], $0x1000  }
0x96: {  	[sflag:s21] =	ssyncset.done $0x0  }
0x97: {  	[sflag:s21] =	ssyncadd.s32 $0xFFFFF000  }
0x98: {  	_ =	swait.ge [sflag:s21], $0x1000  }
0x99: {  	[sflag:s21] =	ssyncset.done $0x0  }
0x9a: {  	[sflag:s21] =	ssyncadd.s32 $0xFFFFF000  }
0x9b: {  	_ =	swait.ge [sflag:s21], $0x1000  }
0x9c: {  	[sflag:s21] =	ssyncset.done $0x0  }
0x9d: {  	[sflag:s21] =	ssyncadd.s32 $0xFFFFF000  }
0x9e: {  	_ =	swait.ge [sflag:s21], $0x1000  }
0x9f: {  	p0 =	seq.s32 s7, $0x16800;
	[sflag:s21] =	ssyncset.done $0x0  }
.Ltmp2:
0xa0: {  	s9 =	sadd.s32 s7, s14;
	[sflag:s21] =	ssyncadd.s32 $0xFFFFF000;
	(pc) =	sbr.rel @p0 .LBB2_4-.Ltmp2, $4  }
0xa1: {  	[hbm4b:s9+s3] =	stream.linear.scatter [tilespmem:s28], [sflag:$0x8], $0x5000, $0x38;
	[tilespmem:$0x14A00] =	vst v63  }
0xa2: {  	_ =	swait.ge [sflag:s22], $0x5000  }
0xa3: {  	[sflag:s22] =	ssyncset.done $0x0  }
0xa4: {  	[sflag:s22] =	ssyncadd.s32 $0xFFFFB000  }
0xa5: {  	s8 =	sshrl.u32 s6, $0x3;
	s9 =	rddreg [dreg:$0x0]  }
0xa6: {  	s8 =	sadd.s32 s9, s8  }
0xa7: {  	[tilespmem:s3], [sflag:$0x9] =	stream.linear.gather [hbm4b:s8+s3], $0x280, $0x38;
	[tilespmem:$0x14A00] =	vst v63  }
0xa8: {  	_ =	swait.ge [sflag:s18], $0x280  }
0xa9: {  	[sflag:s18] =	ssyncset.done $0x0  }
0xaa: {  	[sflag:s18] =	ssyncadd.s32 $0xFFFFFD80  }
0xab: {  	[tilespmem:s20], [sflag:$0x1] =	stream.indirect.gather [hbm4b:s5+s19], $0x20, s3, s19, $0xb8;
	[tilespmem:$0x14A00] =	vst v63  }
0xac: {  	s9 =	simm.s32 $0x1A00  }
0xad: {  	[tilespmem:s9], [sflag:$0x1] =	stream.indirect.gather [hbm4b:s5+s19], $0x20, s19, s19, $0xb8;
	[tilespmem:$0x14A00] =	vst v63  }
0xae: {  	s8 =	simm.s32 $0x100;
	s9 =	simm.s32 $0x2A00  }
0xaf: {  	[tilespmem:s9], [sflag:$0x1] =	stream.indirect.gather [hbm4b:s5+s19], $0x20, s8, s19, $0xb8;
	[tilespmem:$0x14A00] =	vst v63  }
0xb0: {  	s8 =	simm.s32 $0x180;
	s9 =	simm.s32 $0x3A00  }
0xb1: {  	[tilespmem:s9], [sflag:$0x1] =	stream.indirect.gather [hbm4b:s5+s19], $0x20, s8, s19, $0xb8;
	[tilespmem:$0x14A00] =	vst v63  }
0xb2: {  	s8 =	simm.s32 $0x200;
	s9 =	simm.s32 $0x4A00  }
0xb3: {  	[tilespmem:s9], [sflag:$0x1] =	stream.indirect.gather [hbm4b:s5+s19], $0x20, s8, s19, $0xb8;
	[tilespmem:$0x14A00] =	vst v63  }
0xb4: {  	_ =	swait.ge [sflag:s23], $0x5000  }
0xb5: {  	[sflag:s23] =	ssyncset.done $0x0  }
0xb6: {  	[sflag:s23] =	ssyncadd.s32 $0xFFFFB000  }
0xb7: {  	[tilespmem:s29], [sflag:$0x9] =	stream.linear.gather [hbm4b:s0+s3], $0x280, $0x38;
	[tilespmem:$0x14A00] =	vst v63  }
0xb8: {  	_ =	swait.ge [sflag:s18], $0x280  }
0xb9: {  	[sflag:s18] =	ssyncset.done $0x0  }
0xba: {  	[sflag:s18] =	ssyncadd.s32 $0xFFFFFD80  }
0xbb: {  	[tilespmem:s30], [sflag:$0x2] =	stream.indirect.gather [hbm4b:s5+s19], $0x20, s29, s19, $0xb8;
	[tilespmem:$0x14A00] =	vst v63  }
0xbc: {  	s8 =	simm.s32 $0x300;
	s9 =	simm.s32 $0x6A00  }
0xbd: {  	[tilespmem:s9], [sflag:$0x2] =	stream.indirect.gather [hbm4b:s5+s19], $0x20, s8, s19, $0xb8;
	[tilespmem:$0x14A00] =	vst v63  }
0xbe: {  	s8 =	simm.s32 $0x380;
	s9 =	simm.s32 $0x7A00  }
0xbf: {  	[tilespmem:s9], [sflag:$0x2] =	stream.indirect.gather [hbm4b:s5+s19], $0x20, s8, s19, $0xb8;
	[tilespmem:$0x14A00] =	vst v63  }
0xc0: {  	s8 =	simm.s32 $0x400;
	s9 =	simm.s32 $0x8A00  }
0xc1: {  	[tilespmem:s9], [sflag:$0x2] =	stream.indirect.gather [hbm4b:s5+s19], $0x20, s8, s19, $0xb8;
	[tilespmem:$0x14A00] =	vst v63  }
0xc2: {  	s8 =	simm.s32 $0x480;
	s9 =	simm.s32 $0x9A00  }
0xc3: {  	[tilespmem:s9], [sflag:$0x2] =	stream.indirect.gather [hbm4b:s5+s19], $0x20, s8, s19, $0xb8;
	[tilespmem:$0x14A00] =	vst v63  }
0xc4: {  	_ =	swait.ge [sflag:s24], $0x5000  }
0xc5: {  	[sflag:s24] =	ssyncset.done $0x0  }
0xc6: {  	[sflag:s24] =	ssyncadd.s32 $0xFFFFB000  }
0xc7: {  	[tilespmem:s11], [sflag:$0x9] =	stream.linear.gather [hbm4b:s2+s3], $0x280, $0x38;
	[tilespmem:$0x14A00] =	vst v63  }
0xc8: {  	_ =	swait.ge [sflag:s18], $0x280  }
0xc9: {  	[sflag:s18] =	ssyncset.done $0x0  }
0xca: {  	[sflag:s18] =	ssyncadd.s32 $0xFFFFFD80  }
0xcb: {  	[tilespmem:s12], [sflag:$0x3] =	stream.indirect.gather [hbm4b:s5+s19], $0x20, s11, s19, $0xb8;
	[tilespmem:$0x14A00] =	vst v63  }
0xcc: {  	s8 =	simm.s32 $0x580;
	s9 =	simm.s32 $0xBA00  }
0xcd: {  	[tilespmem:s9], [sflag:$0x3] =	stream.indirect.gather [hbm4b:s5+s19], $0x20, s8, s19, $0xb8;
	[tilespmem:$0x14A00] =	vst v63  }
0xce: {  	s8 =	simm.s32 $0x600;
	s9 =	simm.s32 $0xCA00  }
0xcf: {  	[tilespmem:s9], [sflag:$0x3] =	stream.indirect.gather [hbm4b:s5+s19], $0x20, s8, s19, $0xb8;
	[tilespmem:$0x14A00] =	vst v63  }
0xd0: {  	s8 =	simm.s32 $0x680;
	s9 =	simm.s32 $0xDA00  }
0xd1: {  	[tilespmem:s9], [sflag:$0x3] =	stream.indirect.gather [hbm4b:s5+s19], $0x20, s8, s19, $0xb8;
	[tilespmem:$0x14A00] =	vst v63  }
0xd2: {  	s8 =	simm.s32 $0x700;
	s9 =	simm.s32 $0xEA00  }
0xd3: {  	[tilespmem:s9], [sflag:$0x3] =	stream.indirect.gather [hbm4b:s5+s19], $0x20, s8, s19, $0xb8;
	[tilespmem:$0x14A00] =	vst v63  }
0xd4: {  	_ =	swait.ge [sflag:s25], $0x5000  }
0xd5: {  	[sflag:s25] =	ssyncset.done $0x0  }
0xd6: {  	[sflag:s25] =	ssyncadd.s32 $0xFFFFB000  }
0xd7: {  	[tilespmem:s26], [sflag:$0x9] =	stream.linear.gather [hbm4b:s31+s3], $0x280, $0x38;
	[tilespmem:$0x14A00] =	vst v63  }
0xd8: {  	_ =	swait.ge [sflag:s18], $0x280  }
0xd9: {  	[sflag:s18] =	ssyncset.done $0x0  }
0xda: {  	[sflag:s18] =	ssyncadd.s32 $0xFFFFFD80  }
0xdb: {  	[tilespmem:s28], [sflag:$0x4] =	stream.indirect.gather [hbm4b:s5+s19], $0x20, s26, s19, $0xb8;
	[tilespmem:$0x14A00] =	vst v63  }
0xdc: {  	s8 =	simm.s32 $0x800;
	s9 =	simm.s32 $0x10A00  }
0xdd: {  	[tilespmem:s9], [sflag:$0x4] =	stream.indirect.gather [hbm4b:s5+s19], $0x20, s8, s19, $0xb8;
	[tilespmem:$0x14A00] =	vst v63  }
0xde: {  	s8 =	simm.s32 $0x880;
	s9 =	simm.s32 $0x11A00  }
0xdf: {  	[tilespmem:s9], [sflag:$0x4] =	stream.indirect.gather [hbm4b:s5+s19], $0x20, s8, s19, $0xb8;
	[tilespmem:$0x14A00] =	vst v63  }
.Ltmp3:
0xe0: {  	s7 =	sadd.s32 $0x2800, s7;
	s6 =	sadd.s32 $0xA00, s6;
	(pc) =	sbr.rel .LBB2_2-.Ltmp3, $4  }
0xe1: {  	s0 =	sadd.s32 $0x140, s0;
	s8 =	simm.s32 $0x900;
	s9 =	simm.s32 $0x12A00  }
0xe2: {  	[tilespmem:s9], [sflag:$0x4] =	stream.indirect.gather [hbm4b:s5+s19], $0x20, s8, s19, $0xb8;
	[tilespmem:$0x14A00] =	vst v63  }
0xe3: {  	s2 =	sadd.s32 $0x140, s2;
	s31 =	sadd.s32 $0x140, s31;
	s9 =	simm.s32 $0x980  }
0xe4: {  	[tilespmem:s10], [sflag:$0x4] =	stream.indirect.gather [hbm4b:s5+s19], $0x20, s9, s19, $0xb8;
	[tilespmem:$0x14A00] =	vst v63  }
.LBB2_5:
0xe5: {  	_ =	sfence.sel $0x180000  }
0xe6: {  	[bflag:$0x0] =	sbarrier.arrive $0xFFFF  }
0xe7: {  	_ =	strace $0x90000047  }
0xe8: {  	s0 =	stileid.u32;
	[bflag:$0x2] =	sbarrier.arrive $0xFFFF  }
0xe9: {  	p0 =	sne.s32 s0, $0x0;
	s0 =	rddreg [dreg:$0x3]  }
0xea: {  	s0 =	sadd.s32 @!p0 $0x100000, s0  }
0xeb: {  	[sflag:s0] =	ssyncadd.tile.s32 @!p0 $0x1;
	_ =	shalt  }
.Lfunc_end2:
_tile_overlayer_lowered:
.L_overlay_start_2:
0xec: {  	(tag) =	ssettag $0x2  }
0xed: {  	s0 =	rddreg [dreg:$0x0];
	s2 =	stileid.u32  }
0xee: {  	s1 =	rddreg [dreg:$0x1];
	p0 =	sne.s32 s2, $0x0  }
0xef: {  	s3 =	rddreg [dreg:$0x2];
	[bflag:$0x3] =	sbarrier.arrive $0xFFFF;
	s2 =	simm.s32 @!p0 $0x1C09  }
0xf0: {  	[timem:s3], [sflag:s2] =	dma.local @!p0 [hbm:s0], s1  }
0xf1: {  	s0 =	simm.s32 @!p0 $0x9  }
0xf2: {  	_ =	swait.ge @!p0 [sflag:s0], s1  }
0xf3: {  	s1 =	ssub.s32 @!p0 $0x0, s1;
	[sflag:s0] =	ssyncset.done @!p0 $0x0  }
0xf4: {  	[sflag:s0] =	ssyncadd.s32 @!p0 s1  }
0xf5: {  	[bflag:$0x3] =	sbarrier.arrive $0xFFFF  }
0xf6: {  	_ =	shalt  }

// kernel: sparse-core-data-format-call.cloned.1.call-start
scs
called_computation_lowered:
.L_overlay_start_0:
0x0: {  	s2 =	sld [smem:$0x3FD9]  }
0x1: {  	s3 =	sld [smem:$0x3FFE];
	_ =	sdelay $0x1  }
0x2: {  	s1 =	srdreg.scid  }
0x3: {  	s0 =	sand.u32 $0x1, s1  }
0x4: {  	s18 =	sshll.u32 s0, $0xA;
	s2 =	sadd.s32 s3, s2  }
0x5: {  	s2 =	sadd.s32 s2, s18  }
0x6: {  	[smem:$0x3FC6] =	sst s2  }
0x7: {  	_ = 	snop  }
0x8: {  	s2 =	sld [smem:$0x3FD0];
	(tm) =	ssettm $0x1  }
0x9: {  	s19 =	sld [smem:$0x3FFB];
	_ =	sdelay $0x3  }
0xa: {  	_ =	strace s19  }
0xb: {  	s3 =	sld [smem:$0x3FFC];
	_ =	sdelay $0x3  }
0xc: {  	_ =	strace s3  }
0xd: {  	s3 =	sld [smem:$0x3FFD];
	_ =	sdelay $0x3  }
0xe: {  	_ =	strace s3  }
0xf: {  	_ =	strace $0x8FFFFFFF  }
0x10: {  	s20 =	sld [smem:$0x3FDB];
	_ =	sdelay $0x1  }
0x11: {  	s4 =	simm.s32 $_scs_section_size  }
0x12: {  	s5 =	simm.s32 $_size__tile_overlayer_lowered;
	s6 =	simm.s32 $_tile_overlayer_lowered  }
0x13: {  	s23 =	simm.s32 $0x1BFF;
	s22 =	sshll.u32 s6, $0x1;
	s3 =	sadd.s32 s4, s20  }
0x14: {  	s7 =	simm.s32 $0x0;
	s21 =	sshll.u32 s5, $0x1;
	s5 =	sadd.s32 s22, s3  }
0x15: {  	[timem:s7], [sflag:s23] =	dma.local [hbm:s5], s21  }
0x16: {  	_ =	swait.ge [sflag:s23], s21  }
0x17: {  	s4 =	ssub.s32 $0x0, s21;
	[sflag:s23] =	ssyncset.done $0x0  }
0x18: {  	[sflag:s23] =	ssyncadd.s32 s4;
	_ =	sdelay $0x1  }
0x19: {  	s24 =	simm.s32 $0x1B8B  }
0x1a: {  	_ =	swait.ge [sflag:s24], $0x1  }
0x1b: {  	[sflag:s24] =	ssyncset.done $0x0  }
0x1c: {  	s26 =	simm.s32 $0x1B8E;
	s25 =	sld [smem:$0x3FFE];
	[sflag:s24] =	ssyncadd.s32 $0xFFFFFFFF  }
0x1d: {  	s27 =	simm.s32 $execute0_lowered;
	[smem:$0x3FD2] =	sst s26  }
0x1e: {  	s5 =	sshll.u32 s27, $0x1;
	_ =	strace $0x80000049;
	[dreg:$0x1] =	wrdreg $0xFFFFFFFF  }
0x1f: {  	s28 =	simm.s32 $_size_execute0_lowered;
	s3 =	sadd.s32 s3, s5;
	[dreg:$0x0] =	wrdreg $0x0  }
0x20: {  	s5 =	sshll.u32 s28, $0x1;
	[dreg:$0x2] =	wrdreg s3  }
0x21: {  	[dreg:$0x3] =	wrdreg s5  }
0x22: {  	[dreg:$0x4] =	wrdreg $0xC0  }
0x23: {  	_ =	task [dreg:s7], $0x5FFFF  }
0x24: {  	[dreg:$0x1] =	wrdreg $0xFFFFFFFF  }
0x25: {  	[dreg:$0x0] =	wrdreg $0x60  }
0x26: {  	[dreg:$0x2] =	wrdreg s25  }
0x27: {  	[dreg:$0x3] =	wrdreg s2  }
0x28: {  	[dreg:$0x4] =	wrdreg $0x9  }
0x29: {  	_ =	task.clear_ibuf [dreg:s7], $0x5FFFF;
	_ =	strace $0x90000049  }
0x2a: {  	s29 =	simm.s32 $0x9;
	_ =	strace $0x8000004B  }
0x2b: {  	_ =	swait.ge [sflag:s29], $0x1  }
0x2c: {  	[sflag:s29] =	ssyncadd.s32 $0xFFFFFFFF  }
0x2d: {  	_ =	strace $0x9000004B  }
0x2e: {  	_ =	sfence  }
0x2f: {  	s30 =	sld [smem:$0x0];
	_ =	sdelay $0x2  }
0x30: {  	s31 =	sshll.u32 s1, $0xD;
	s1 =	sshrl.u32 s1, $0x2  }
0x31: {  	s3 =	sand.u32 $0x4000, s31;
	s1 =	sadd.s32 s1, s30  }
0x32: {  	s0 =	sor.u32 s3, s0;
	s1 =	sshll.u32 s1, $0x11  }
0x33: {  	s0 =	sor.u32 s1, s0  }
0x34: {  	s0 =	sadd.s32 $0x8F2B, s0  }
0x35: {  	[sflag:s0] =	ssyncadd.remote.s32 $0x1  }
0x36: {  	_ =	sfence.sel $0xFFFF  }
0x37: {  	[dreg:$0x0] =	wrdreg $0xFFFFFFFF;
	(pc) =	sbr.abs _section_cstart, $3  }
0x38: {  	[dreg:$0x1] =	wrdreg $0xFFFFFFFF  }
0x39: {  	_ =	task.clear_ibuf [dreg:s7], $0x2FFFF;
	_ =	strace $0x9FFFFFFF  }
0x3a: {  	(tm) =	ssettm $0x7FFFFFFF  }
0x3b: {  	_ =	shalt  }
tec
execute0_lowered:
.L_overlay_start_1:
0x0: {  	(tag) =	ssettag $0x1  }
0x1: {  	s0 =	srdreg.scid  }
0x2: {  	s1 =	sshll.u32 s0, $0x4  }
0x3: {  	s4 =	rddreg [dreg:$0x0];
	s0 =	stileid.u32;
	s1 =	sand.u32 $0x10, s1  }
0x4: {  	s2 =	rddreg [dreg:$0x1];
	s7 =	simm.s32 $0x1;
	s1 =	sor.u32 s0, s1  }
0x5: {  	s8 =	simm.s32 $0x2;
	s11 =	simm.s32 $0x0;
	s3 =	sshll.u32 s1, $0x7  }
0x6: {  	s10 =	simm.s32 $0x0;
	s4 =	sadd.s32 $0x800, s4;
	s6 =	ssub.s32 $0xC8000, s3  }
.Ltmp0:
0x7: {  	s1 =	rddreg [dreg:$0x2];
	s5 =	sand.u32 $0xF80, s6;
	(pc) =	sbr.rel .LBB1_1-.Ltmp0, $4  }
0x8: {  	_ =	strace $0x8000004A;
	s9 =	smov.u32 s3;
	p0 =	sne.s32 s5, $0x0  }
0x9: {  	s6 =	sshrl.u32 s6, $0xC;
	s5 =	simm.s32 $0x1;
	s7 =	simm.s32 @!p0 $0x0  }
0xa: {  	[sflag:s5] =	ssyncpa.u1 $0x0;
	p0 =	por $0x0, $0x0;
	s6 =	sadd.s32 s7, s6  }
0xb: {  	[sflag:s8] =	ssyncpa.u1 $0x0;
	s8 =	simm.s32 $0x640000;
	s7 =	sadd.s32 $0x1, s6  }
.LBB1_4:
0xc: {  	s14 =	sshll.u32 s11, $0x3  }
0xd: {  	s30 =	sand.u32 $0x7F, s11;
	s15 =	sand.u32 $0xFFFFFC00, s14  }
0xe: {  	s11 =	sor.u32 s30, s15  }
0xf: {  	s15 =	smulhi.u32 $0x51EB851F, s11  }
0x10: {  	s14 =	smulhi.u32 $0x51EB851F, s14  }
0x11: {  	s15 =	sshrl.u32 s15, $0x12  }
0x12: {  	s14 =	sshrl.u32 s14, $0x12;
	s15 =	smul.u32 $0xC8000, s15  }
0x13: {  	s14 =	sand.u32 $0x1F, s14  }
0x14: {  	s14 =	smul.u32 $0x19000, s14;
	s11 =	ssub.s32 s11, s15  }
0x15: {  	s15 =	sand.u32 $0x7, s11  }
0x16: {  	s14 =	sadd.s32 s2, s14;
	s11 =	sshrl.u32 s11, $0x3;
	s15 =	sshll.u32 s15, $0x12  }
0x17: {  	[tilespmem:s13+$0x0 ss:$0x81] =	vst.msk $0xffff, v0;
	s11 =	sadd.s32 s11, s14;
	s31 =	sor.u32 $0x400, s15  }
0x18: {  	[hbm4b:s11+s31] =	stream.strided.scatter [tilespmem:s12], [sflag:$0x2], $0x1000, s8, s31, $0x20;
	[tilespmem:$0x4040] =	vst v63  }
.LBB1_5:
0x19: {  	s13 =	sadd.s32 $0x1000, s9  }
0x1a: {  	p2 =	sgt.s32 s13, $0xC7FFF  }
0x1b: {  	s13 =	smov.u32 @p2 s3;
	p2 =	sne.s32 s10, s7  }
.Ltmp1:
0x1c: {  	p1 =	slt.u32 s10, $0x2;
	(pc) =	sbr.rel @!p2 .LBB1_6-.Ltmp1, $4  }
0x1d: {  	s12 =	simm.s32 @!p1 $0x2  }
0x1e: {  	s14 =	sadd.s32 $0x1, s10;
	_ =	swait.ge @!p1 [sflag:s12], $0x1000  }
0x1f: {  	s11 =	smov.u32 s9;
	p0 =	por !p0, !p0;
	[sflag:s12] =	ssyncset.done @!p1 $0x0  }
0x20: {  	s10 =	smov.u32 s14;
	s9 =	smov.u32 s13;
	[sflag:s12] =	ssyncadd.s32 @!p1 $0xFFFFF000  }
.LBB1_1:
0x21: {  	p1 =	sge.u32 s10, s6  }
0x22: {  	s12 =	sand.u32 @!p1 $0x1FFFFFF, s9  }
0x23: {  	s13 =	smulhi.u32 @!p1 $0x147AE15, s12;
	_ =	sdelay $0x1  }
0x24: {  	s13 =	sshrl.u32 @!p1 s13, $0xC  }
0x25: {  	s13 =	smul.u32 @!p1 $0xC8000, s13;
	_ =	sdelay $0x1  }
0x26: {  	s31 =	sadd.s32 $0xFFFFFFFF, s10;
	s14 =	sxor.u32 @!p1 $0xFFFFFFFF, s10;
	s12 =	ssub.s32 @!p1 s12, s13  }
0x27: {  	s15 =	simm.s32 @!p1 $0x80;
	s14 =	sshll.u32 @!p1 s14, $0xC;
	s12 =	sshll.u32 @!p1 s12, $0x4  }
0x28: {  	s13 =	sand.u32 @!p1 $0x1000, s14;
	s14 =	simm.s32 @!p1 $0x20;
	s12 =	sadd.s32 @!p1 s4, s12  }
0x29: {  	[tilespmem:s13], [sflag:$0x1] =	stream.strided.gather @!p1 [hbm4b:s12+s14], $0x1000, s15, s14, $0x38;
	[tilespmem:$0x4040] =	vst v63  }
0x2a: {  	p1 =	sge.u32 s31, s6  }
.Ltmp2:
0x2b: {  	_ = 	snop;
	(pc) =	sbr.rel @p1 .LBB1_5-.Ltmp2, $1  }
0x2c: {  	_ =	sdelay $0x3  }
0x2d: {  	s12 =	simm.s32 $0x1  }
0x2e: {  	_ =	swait.ge [sflag:s5], $0x1000;
	s12 =	simm.s32 @!p0 $0x0  }
0x2f: {  	[sflag:s5] =	ssyncset.done $0x0;
	s13 =	sshll.u32 s12, $0xC  }
0x30: {  	[sflag:s5] =	ssyncadd.s32 $0xFFFFF000;
	s16 =	sor.u32 $0x10, s13  }
0x31: {  	s12 =	smul.u32 $0x4080, s12;
	v1 =	vld [tilespmem:s16+$0x0]  }
0x32: {  	s30 =	sand.u32 $0x1, s10;
	v0 =	vld [tilespmem:s16+$0xFFFFFFF0]  }
0x33: {  	s13 =	smul.u32 $0x4080, s30;
	s12 =	sshrl.u32 s12, $0x2  }
0x34: {  	s14 =	sor.u32 $0x2000, s12  }
0x35: {  	s31 =	sshrl.u32 s13, $0x2;
	s13 =	sadd.s32 $0x0, s14  }
0x36: {  	s15 =	simm.s32 $0x4;
	s16 =	sadd.s32 $0x20, s16;
	s12 =	sor.u32 $0x2000, s31;
	[tilespmem:s13+$0x810 ss:$0x81] =	vst.msk $0xffff, v1  }
.LBB1_3:
0x37: {  	v1 =	vld [tilespmem:s16+$0x0];
	p1 =	sne.s32 s15, $0x1FC;
	[tilespmem:s13+$0x0 ss:$0x81] =	vst.msk $0xffff, v0;
	s13 =	smov.u32 s15;
	s15 =	sadd.s32 $0x4, s15  }
.Ltmp3:
0x38: {  	v0 =	vld [tilespmem:s16+$0xFFFFFFF0];
	(pc) =	sbr.rel @p1 .LBB1_3-.Ltmp3, $4  }
0x39: {  	_ = 	snop  }
0x3a: {  	s13 =	sshra.s32 s13, $0x2  }
0x3b: {  	s13 =	sadd.s32 s13, s14  }
0x3c: {  	s16 =	sadd.s32 $0x20, s16;
	[tilespmem:s13+$0x810 ss:$0x81] =	vst.msk $0xffff, v1  }
.Ltmp4:
0x3d: {  	_ = 	snop;
	(pc) =	sbr.rel .LBB1_4-.Ltmp4, $1  }
0x3e: {  	_ =	sdelay $0x3  }
.LBB1_6:
0x3f: {  	_ =	sfence.sel $0x180000  }
0x40: {  	s2 =	simm.s32 $0x1;
	[bflag:$0x0] =	sbarrier.arrive $0xFFFF  }
0x41: {  	s31 =	simm.s32 $0x2;
	[sflag:s2] =	ssyncpa.u1 $0x1  }
0x42: {  	[sflag:s31] =	ssyncpa.u1 $0x1  }
0x43: {  	p0 =	sne.s32 s0, $0x0;
	_ =	strace $0x9000004A  }
0x44: {  	s0 =	sadd.s32 @!p0 $0x100000, s1;
	[bflag:$0x2] =	sbarrier.arrive $0xFFFF  }
0x45: {  	[sflag:s0] =	ssyncadd.tile.s32 @!p0 $0x1;
	_ =	shalt  }
.Lfunc_end1:
_tile_overlayer_lowered:
.L_overlay_start_2:
0x46: {  	(tag) =	ssettag $0x2  }
0x47: {  	s0 =	rddreg [dreg:$0x0];
	s2 =	stileid.u32  }
0x48: {  	s1 =	rddreg [dreg:$0x1];
	p0 =	sne.s32 s2, $0x0  }
0x49: {  	s3 =	rddreg [dreg:$0x2];
	[bflag:$0x3] =	sbarrier.arrive $0xFFFF;
	s2 =	simm.s32 @!p0 $0x1C01  }
0x4a: {  	[timem:s3], [sflag:s2] =	dma.local @!p0 [hbm:s0], s1  }
0x4b: {  	s0 =	simm.s32 @!p0 $0x1  }
0x4c: {  	_ =	swait.ge @!p0 [sflag:s0], s1  }
0x4d: {  	s1 =	ssub.s32 @!p0 $0x0, s1;
	[sflag:s0] =	ssyncset.done @!p0 $0x0  }
0x4e: {  	[sflag:s0] =	ssyncadd.s32 @!p0 s1  }
0x4f: {  	[bflag:$0x3] =	sbarrier.arrive $0xFFFF  }
0x50: {  	_ =	shalt  }

</sc_bundles>
